<compile_context>
chip_gen: v7x
topology: tpu7x:2x2x1
jax: 0.10.2.dev20260603
libtpu: 0.0.44.dev20260713+nightly
codegen_flags: <defaults>
</compile_context>

<pallas_src>
import functools

import numpy as np
import jax
import jax.numpy as jnp
from jax import lax
from jax.experimental import pallas as pl
from jax.experimental.pallas import tpu as pltpu
from jax.experimental.pallas import tpu_sc as plsc

_B, _W, _N, _F, _H = 8, 8, 64, 32, 64
_E = _N * (_N - 1)
_L = 16
_R, _C = 72, 128

_ii, _jj = np.meshgrid(np.arange(_N), np.arange(_N), indexing="ij")
_m = _ii != _jj
_PR_NP = _ii[_m].astype(np.int32)
_PC_NP = _jj[_m].astype(np.int32)
_PRPC_NP = np.concatenate([_PR_NP, _PC_NP])

_CONTRACT_T_LHS = (((0,), (0,)), ((), ()))
_CONTRACT_T_RHS = (((1,), (1,)), ((), ()))


def _tc_body(x_ref, wgcn_ref, bgcn_ref, we1t_ref, be1_ref, we2_ref, be2_ref,
             wew_ref, bew_ref, wpt_ref, bp_ref, ewf_ref, x_v, sem):
    cp_x = pltpu.make_async_copy(x_ref.at[:, _W - 1], x_v, sem)
    cp_x.start()
    cp_x.wait()
    wgcn = wgcn_ref[...]
    we1t_a = we1t_ref[:, 0:_H]
    we1t_c = we1t_ref[:, _H:2 * _H]
    wpt = wpt_ref[...]
    wq = lax.dot_general(wew_ref[...], wpt, _CONTRACT_T_RHS,
                         preferred_element_type=jnp.float32)
    cq = lax.dot_general(bew_ref[...], wpt, _CONTRACT_T_RHS,
                         preferred_element_type=jnp.float32)
    we2 = we2_ref[...]
    be2 = be2_ref[0, 0]
    ii = lax.broadcasted_iota(jnp.int32, (_N, _N), 0)
    jj = lax.broadcasted_iota(jnp.int32, (_N, _N), 1)
    diag = ii == jj
    bp_row = jnp.broadcast_to(bp_ref[...], (1, _N))
    for b in range(_B):
        ne_b = lax.dot_general(x_v[b], wgcn, _CONTRACT_T_LHS,
                               preferred_element_type=jnp.float32)
        ne_b = ne_b + bgcn_ref[...]
        Ab = lax.dot_general(ne_b, we1t_a, _CONTRACT_T_RHS,
                             preferred_element_type=jnp.float32)
        Ab = Ab + be1_ref[...]
        Cb = lax.dot_general(ne_b, we1t_c, _CONTRACT_T_RHS,
                             preferred_element_type=jnp.float32)
        qb = jnp.dot(ne_b, wq, preferred_element_type=jnp.float32) + cq
        T = jnp.maximum(Ab[:, None, :] + Cb[None, :, :], 0.0)
        ewb = jnp.sum(T * we2[None, :, :], axis=2) + be2
        ewf_ref[b, 0:_N, 0:_N] = jnp.where(diag, qb, ewb)
        ewf_ref[b, _N:_N + 1, 0:_N] = bp_row


_tc_call = pl.pallas_call(
    _tc_body,
    grid=(1,),
    in_specs=[pl.BlockSpec(memory_space=pl.ANY)]
    + [pl.BlockSpec(s, lambda i, _r=len(s): (0,) * _r)
       for s in [(_F, _H), (1, _H), (_H, 2 * _H), (1, _H), (1, _H), (1, 1),
                 (_H, _H), (1, _H), (1, _H), (1, 1)]],
    out_specs=pl.BlockSpec((_B, _R, _C), lambda i: (0, 0, 0)),
    out_shape=jax.ShapeDtypeStruct((_B, _R, _C), jnp.float32),
    scratch_shapes=[
        pltpu.VMEM((_B, _F, _N), jnp.float32),
        pltpu.SemaphoreType.DMA,
    ],
)

_NC, _NS = 2, 16


_EC = _E // 4


def _sc_body(ewf_hbm, idx_hbm,
             pred_hbm, ew_hbm,
             ewf_v, idx_v, ewo_v, acc_v, pred_v, tmp4_v, ewrow_v,
             shared_v, shared_ew, sem):
    c_id = lax.axis_index("c")
    s_id = lax.axis_index("s")
    b = c_id * 4 + s_id // 4
    k = s_id % 4
    e_base = k * _EC

    copies = [
        pltpu.make_async_copy(ewf_hbm.at[b], ewf_v, sem),
        pltpu.make_async_copy(idx_hbm.at[pl.ds(e_base, _EC)],
                              idx_v.at[pl.ds(0, _EC)], sem),
        pltpu.make_async_copy(idx_hbm.at[pl.ds(_E + e_base, _EC)],
                              idx_v.at[pl.ds(_EC, _EC)], sem),
        pltpu.make_async_copy(idx_hbm.at[pl.ds(2 * _E + e_base, _EC)],
                              idx_v.at[pl.ds(2 * _EC, _EC)], sem),
        pltpu.make_async_copy(idx_hbm.at[pl.ds(3 * _E + e_base, _EC)],
                              idx_v.at[pl.ds(3 * _EC, _EC)], sem),
    ]
    for c in copies:
        c.start()

    zero = jnp.zeros((_L,), jnp.float32)
    for i in range(_N):
        acc_v[pl.ds(i * _L, _L)] = zero

    for c in copies:
        c.wait()

    lane = lax.iota(jnp.int32, _L) * _N

    def body(i, carry):
        for u in range(3):
            e0 = i * (3 * _L) + u * _L
            pr = idx_v[pl.ds(2 * _EC + e0, _L)]
            pc = idx_v[pl.ds(3 * _EC + e0, _L)]
            ew16 = plsc.load_gather(ewf_v, [pr, pc])
            ewo_v[pl.ds(e0, _L)] = ew16
            si = idx_v[pl.ds(e0, _L)]
            qv = plsc.load_gather(ewf_v, [si, si])
            ti = idx_v[pl.ds(_EC + e0, _L)]
            plsc.addupdate_scatter(acc_v, [lane + ti], ew16 * qv)
        return carry

    lax.fori_loop(0, _EC // (3 * _L), body, 0)

    for sl in range(_N // _L):
        s = acc_v[pl.ds(sl * _L, _L)]
        for p in range(1, _L):
            s = s + acc_v[pl.ds(p * _N + sl * _L, _L)]
        pred_v[pl.ds(sl * _L, _L)] = s

    cp_ew = pltpu.make_async_copy(
        ewo_v, shared_ew.at[pl.ds((s_id // 4) * _E + e_base, _EC)], sem)
    cp_ew.start()
    pltpu.sync_copy(pred_v, shared_v.at[pl.ds(s_id * _N, _N)])
    cp_ew.wait()
    plsc.subcore_barrier()

    @pl.when(k == 0)
    def _():
        pltpu.sync_copy(shared_v.at[pl.ds(s_id * _N, 4 * _N)], tmp4_v)
        bp = ewf_v[_N, pl.ds(0, _L)]
        for sl in range(_N // _L):
            s = bp
            for r in range(4):
                s = s + tmp4_v[pl.ds(r * _N + sl * _L, _L)]
            pred_v[pl.ds(sl * _L, _L)] = s
        pltpu.sync_copy(pred_v, pred_hbm.at[b])
        pltpu.sync_copy(shared_ew.at[pl.ds((s_id // 4) * _E, _E)], ewrow_v)
        pltpu.sync_copy(ewrow_v, ew_hbm.at[b])


@functools.cache
def _make_sc_call():
    mesh = plsc.VectorSubcoreMesh(
        core_axis_name="c", subcore_axis_name="s",
        num_cores=_NC, num_subcores=_NS)
    return pl.kernel(
        _sc_body,
        out_type=[
            jax.ShapeDtypeStruct((_B, _N), jnp.float32),
            jax.ShapeDtypeStruct((_B, _E), jnp.float32),
        ],
        mesh=mesh,
        compiler_params=pltpu.CompilerParams(needs_layout_passes=False),
        scratch_types=[
            pltpu.VMEM((_R, _C), jnp.float32),
            pltpu.VMEM((4 * _EC,), jnp.int32),
            pltpu.VMEM((_EC,), jnp.float32),
            pltpu.VMEM((_L * _N,), jnp.float32),
            pltpu.VMEM((_N,), jnp.float32),
            pltpu.VMEM((4 * _N,), jnp.float32),
            pltpu.VMEM((_E,), jnp.float32),
            pltpu.VMEM_SHARED((_NS * _N,), jnp.float32),
            pltpu.VMEM_SHARED((4 * _E,), jnp.float32),
            pltpu.SemaphoreType.DMA,
        ],
    )


def kernel(x_seq, edge_index, W_gcn, b_gcn, W_e1, b_e1, W_e2, b_e2,
           W_ew, b_ew, W_ih, W_hh, b_ih, b_hh, W_p, b_p):
    x_t = jnp.swapaxes(x_seq, 2, 3)
    we1_t = W_e1.T
    wp_t = W_p.T
    ewf = _tc_call(
        x_t, W_gcn, b_gcn.reshape(1, _H), we1_t, b_e1.reshape(1, _H),
        W_e2.reshape(1, _H), b_e2.reshape(1, 1), W_ew, b_ew.reshape(1, _H),
        wp_t, b_p.reshape(1, 1))
    idx = jnp.concatenate(
        [edge_index[0], edge_index[1], jnp.asarray(_PRPC_NP)])
    pred, ew_out = _make_sc_call()(ewf, idx)
    return pred, ew_out

# --- scband reference (transcript-rebuilt; emitter-appended) ---
"""Pipeline reference for scband-stgnn-91242285236402 (READ-ONLY COPY).

The authoritative reference and input builder live on the scoring server;
editing this copy changes nothing except your own understanding.
"""

import jax, jax.numpy as jnp
import numpy as np

B, W, N, F, H = 8, 8, 64, 32, 64
E = N * (N - 1)


def _perm_pairs(n):
    ii, jj = np.meshgrid(np.arange(n), np.arange(n), indexing='ij')
    m = ii != jj
    return jnp.asarray(ii[m].astype(np.int32)), jnp.asarray(jj[m].astype(np.int32))


def setup_inputs(seed: int = 0):
    key = jax.random.key(seed)
    ks = jax.random.split(key, 12)
    s = 0.05
    inp = {}
    inp['x_seq'] = jax.random.normal(ks[0], (B, W, N, F), dtype=jnp.float32)
    inp['edge_index'] = jax.random.randint(ks[1], (2, E), 0, N, dtype=jnp.int32)
    inp['W_gcn'] = jax.random.normal(ks[2], (F, H), dtype=jnp.float32) * s
    inp['b_gcn'] = jnp.zeros((H,), dtype=jnp.float32)
    inp['W_e1'] = jax.random.normal(ks[3], (2 * H, H), dtype=jnp.float32) * s
    inp['b_e1'] = jnp.zeros((H,), dtype=jnp.float32)
    inp['W_e2'] = jax.random.normal(ks[4], (H, 1), dtype=jnp.float32) * s
    inp['b_e2'] = jnp.zeros((1,), dtype=jnp.float32)
    inp['W_ew'] = jax.random.normal(ks[5], (H, H), dtype=jnp.float32) * s
    inp['b_ew'] = jnp.zeros((H,), dtype=jnp.float32)
    inp['W_ih'] = jax.random.normal(ks[6], (3 * H, N * H), dtype=jnp.float32) * s
    inp['W_hh'] = jax.random.normal(ks[7], (3 * H, H), dtype=jnp.float32) * s
    inp['b_ih'] = jnp.zeros((3 * H,), dtype=jnp.float32)
    inp['b_hh'] = jnp.zeros((3 * H,), dtype=jnp.float32)
    inp['W_p'] = jax.random.normal(ks[8], (H, 1), dtype=jnp.float32) * s
    inp['b_p'] = jnp.zeros((1,), dtype=jnp.float32)
    return inp


def reference(x_seq, edge_index, W_gcn, b_gcn, W_e1, b_e1, W_e2, b_e2, W_ew, b_ew, W_ih, W_hh, b_ih, b_hh, W_p, b_p):
    b, w, n, f = x_seq.shape
    src_p, dst_p = _perm_pairs(n)
    src_e = edge_index[0]
    tgt_e = edge_index[1]
    gcn_seq = []
    ew_seq = []
    for t in range(w):
        x_t = x_seq[:, t]
        ne = x_t @ W_gcn + b_gcn  # [B, N, H]
        # edge features for all ordered pairs (i, j), i != j, in permutation order
        ef = jnp.concatenate([jnp.take(ne, src_p, axis=1), jnp.take(ne, dst_p, axis=1)], axis=-1)  # [B, E, 2H]
        h1 = jax.nn.relu(ef @ W_e1 + b_e1)
        ew = (h1 @ W_e2 + b_e2)[..., 0]  # [B, E]
        ew_seq.append(ew)
        # edge-weighted GCN: out[b, tgt] += ew[b, e] * linear(ne)[b, src]
        lin = ne @ W_ew + b_ew  # [B, N, H]
        gathered = jnp.take(lin, src_e, axis=1)  # [B, E, H]
        weighted = ew[..., None] * gathered  # [B, E, H]
        seg = jax.ops.segment_sum(jnp.swapaxes(weighted, 0, 1), tgt_e, num_segments=n)  # [N, B, H]
        out_t = jnp.swapaxes(seg, 0, 1)  # [B, N, H]
        gcn_seq.append(out_t)
    gcn_seq = jnp.stack(gcn_seq, axis=1)  # [B, W, N, H]
    gru_in = gcn_seq.reshape(b, w, -1)  # [B, W, N*H]
    hd = W_hh.shape[1]
    h0 = jnp.zeros((b, hd), dtype=x_seq.dtype)

    def gru_step(h, xt):
        gi = xt @ W_ih.T + b_ih
        gh = h @ W_hh.T + b_hh
        i_r, i_z, i_n = jnp.split(gi, 3, axis=-1)
        h_r, h_z, h_n = jnp.split(gh, 3, axis=-1)
        r = jax.nn.sigmoid(i_r + h_r)
        z = jax.nn.sigmoid(i_z + h_z)
        nn_ = jnp.tanh(i_n + r * h_n)
        h_new = (1.0 - z) * nn_ + z * h
        return h_new, h_new

    _, gru_out = jax.lax.scan(gru_step, h0, jnp.swapaxes(gru_in, 0, 1))  # computed as in torch (unused by outputs)
    last_ne = gcn_seq[:, -1]
    predicted_pressures = (last_ne @ W_p + b_p)[..., 0]  # [B, N]
    last_edge_weights = ew_seq[-1]  # [B, E]
    return (predicted_pressures, last_edge_weights)

if __name__ == "__main__":
    import jax
    _d = setup_inputs()
    print(jax.jit(kernel)(*tuple(_d.values())))

</pallas_src>

<mosaic_0001>
#map = affine_map<(d0, d1) -> (0, 0, 0)>
#map1 = affine_map<(d0, d1) -> (0)>
#map2 = affine_map<(d0, d1) -> (0, 0)>
module attributes {stable_mosaic.version = 14 : i64} {
  func.func @_sc_body(%arg0: i32, %arg1: i32, %arg2: memref<8x72x128xf32, #tpu.memory_space<hbm>>, %arg3: memref<16128xi32, #tpu.memory_space<hbm>>, %arg4: memref<8x64xf32, #tpu.memory_space<hbm>>, %arg5: memref<8x4032xf32, #tpu.memory_space<hbm>>, %arg6: memref<72x128xf32, #tpu.memory_space<vmem>>, %arg7: memref<4032xi32, #tpu.memory_space<vmem>>, %arg8: memref<1008xf32, #tpu.memory_space<vmem>>, %arg9: memref<1024xf32, #tpu.memory_space<vmem>>, %arg10: memref<64xf32, #tpu.memory_space<vmem>>, %arg11: memref<256xf32, #tpu.memory_space<vmem>>, %arg12: memref<4032xf32, #tpu.memory_space<vmem>>, %arg13: memref<1024xf32, #tpu.memory_space<vmem_shared>>, %arg14: memref<16128xf32, #tpu.memory_space<vmem_shared>>, %arg15: memref<!tpu.dma_semaphore, #tpu.memory_space<semaphore_mem>>) attributes {dimension_semantics = [#tpu.dimension_semantics<core_parallel>, #tpu.dimension_semantics<subcore_parallel>], iteration_bounds = array<i64: 2, 16>, scalar_prefetch = 0 : i64, scratch_operands = 10 : i64, tpu.core_type = #tpu.core_type<sc_vector_subcore>, window_params = [{transform_indices = #map}, {transform_indices = #map1}, {transform_indices = #map2}, {transform_indices = #map2}]} {
    %mul3A = arith.constant 4 : i32
    %mul3A_0 = arith.muli %arg0, %mul3A : i32
    %jit3A = arith.constant 4 : i32
    %div3A = arith.divsi %arg1, %jit3A : i32
    %sign3A = arith.constant 0 : i32
    %sign3A_1 = arith.cmpi sgt, %arg1, %sign3A : i32
    %sign3A_2 = arith.extui %sign3A_1 : i1 to i32
    %sign3A_3 = arith.constant 0 : i32
    %sign3A_4 = arith.cmpi slt, %arg1, %sign3A_3 : i32
    %sign3A_5 = arith.extui %sign3A_4 : i1 to i32
    %sign3A_6 = arith.subi %sign3A_2, %sign3A_5 : i32
    %sign3A_7 = arith.constant 0 : i32
    %sign3A_8 = arith.cmpi sgt, %jit3A, %sign3A_7 : i32
    %sign3A_9 = arith.extui %sign3A_8 : i1 to i32
    %sign3A_10 = arith.constant 0 : i32
    %sign3A_11 = arith.cmpi slt, %jit3A, %sign3A_10 : i32
    %sign3A_12 = arith.extui %sign3A_11 : i1 to i32
    %sign3A_13 = arith.subi %sign3A_9, %sign3A_12 : i32
    %ne3A = arith.cmpi ne, %sign3A_6, %sign3A_13 : i32
    %rem3A = arith.remsi %arg1, %jit3A : i32
    %ne3A_14 = arith.constant 0 : i32
    %ne3A_15 = arith.cmpi ne, %rem3A, %ne3A_14 : i32
    %and3A = arith.andi %ne3A, %ne3A_15 : i1
    %sub3A = arith.constant 1 : i32
    %sub3A_16 = arith.subi %div3A, %sub3A : i32
    %select_n3A = arith.select %and3A, %sub3A_16, %div3A : i32
    %add3A = arith.addi %mul3A_0, %select_n3A : i32
    %jit3A_17 = arith.constant 4 : i32
    %eq3A = arith.constant 0 : i32
    %eq3A_18 = arith.cmpi eq, %jit3A_17, %eq3A : i32
    %jit3A_19 = arith.constant 1 : i32
    %select_n3A_20 = arith.select %eq3A_18, %jit3A_19, %jit3A_17 : i32
    %rem3A_21 = arith.remsi %arg1, %select_n3A_20 : i32
    %ne3A_22 = arith.constant 0 : i32
    %ne3A_23 = arith.cmpi ne, %rem3A_21, %ne3A_22 : i32
    %lt3A = arith.constant 0 : i32
    %lt3A_24 = arith.cmpi slt, %rem3A_21, %lt3A : i32
    %lt3A_25 = arith.constant 0 : i32
    %lt3A_26 = arith.cmpi slt, %select_n3A_20, %lt3A_25 : i32
    %ne3A_27 = arith.xori %lt3A_24, %lt3A_26 : i1
    %and3A_28 = arith.andi %ne3A_27, %ne3A_23 : i1
    %add3A_29 = arith.addi %rem3A_21, %select_n3A_20 : i32
    %select_n3A_30 = arith.select %and3A_28, %add3A_29, %rem3A_21 : i32
    %mul3A_31 = arith.constant 1008 : i32
    %mul3A_32 = arith.muli %select_n3A_30, %mul3A_31 : i32
    %add3A_33 = arith.constant 4032 : i32
    %add3A_34 = arith.addi %add3A_33, %mul3A_32 : i32
    %add3A_35 = arith.constant 8064 : i32
    %add3A_36 = arith.addi %add3A_35, %mul3A_32 : i32
    %add3A_37 = arith.constant 12096 : i32
    %add3A_38 = arith.addi %add3A_37, %mul3A_32 : i32
    %dma_start3A = arith.constant 0 : i32
    %dma_start3A_39 = arith.constant 0 : i32
    %dma_start3A_40 = tpu.memref_slice %arg2[%add3A, %dma_start3A, %dma_start3A_39] : memref<8x72x128xf32, #tpu.memory_space<hbm>> -> memref<1x72x128xf32, #tpu.memory_space<hbm>>
    %dma_start3A_41 = tpu.memref_squeeze %dma_start3A_40 : memref<1x72x128xf32, #tpu.memory_space<hbm>> -> memref<72x128xf32, #tpu.memory_space<hbm>>
    %dma_start3A_42 = arith.constant 0 : i32
    %dma_start3A_43 = arith.constant 0 : i32
    %dma_start3A_44 = tpu.memref_slice %arg2[%add3A, %dma_start3A_42, %dma_start3A_43] : memref<8x72x128xf32, #tpu.memory_space<hbm>> -> memref<1x72x128xf32, #tpu.memory_space<hbm>>
    %dma_start3A_45 = tpu.memref_squeeze %dma_start3A_44 : memref<1x72x128xf32, #tpu.memory_space<hbm>> -> memref<72x128xf32, #tpu.memory_space<hbm>>
    tpu.enqueue_dma source(%dma_start3A_45 : memref<72x128xf32, #tpu.memory_space<hbm>>) target(%arg6 : memref<72x128xf32, #tpu.memory_space<vmem>>) target_semaphore(%arg15 : memref<!tpu.dma_semaphore, #tpu.memory_space<semaphore_mem>>)
    %dma_start3A_46 = arith.constant 0 : i32
    %dma_start3A_47 = tpu.memref_slice %arg7[%dma_start3A_46] : memref<4032xi32, #tpu.memory_space<vmem>> -> memref<1008xi32, #tpu.memory_space<vmem>>
    %dma_start3A_48 = tpu.memref_slice %arg3[%mul3A_32] : memref<16128xi32, #tpu.memory_space<hbm>> -> memref<1008xi32, #tpu.memory_space<hbm>>
    %dma_start3A_49 = arith.constant 0 : i32
    %dma_start3A_50 = tpu.memref_slice %arg7[%dma_start3A_49] : memref<4032xi32, #tpu.memory_space<vmem>> -> memref<1008xi32, #tpu.memory_space<vmem>>
    %dma_start3A_51 = tpu.memref_slice %arg3[%mul3A_32] : memref<16128xi32, #tpu.memory_space<hbm>> -> memref<1008xi32, #tpu.memory_space<hbm>>
    tpu.enqueue_dma source(%dma_start3A_51 : memref<1008xi32, #tpu.memory_space<hbm>>) target(%dma_start3A_50 : memref<1008xi32, #tpu.memory_space<vmem>>) target_semaphore(%arg15 : memref<!tpu.dma_semaphore, #tpu.memory_space<semaphore_mem>>)
    %dma_start3A_52 = arith.constant 1008 : i32
    %dma_start3A_53 = tpu.memref_slice %arg7[%dma_start3A_52] : memref<4032xi32, #tpu.memory_space<vmem>> -> memref<1008xi32, #tpu.memory_space<vmem>>
    %dma_start3A_54 = tpu.memref_slice %arg3[%add3A_34] : memref<16128xi32, #tpu.memory_space<hbm>> -> memref<1008xi32, #tpu.memory_space<hbm>>
    %dma_start3A_55 = arith.constant 1008 : i32
    %dma_start3A_56 = tpu.memref_slice %arg7[%dma_start3A_55] : memref<4032xi32, #tpu.memory_space<vmem>> -> memref<1008xi32, #tpu.memory_space<vmem>>
    %dma_start3A_57 = tpu.memref_slice %arg3[%add3A_34] : memref<16128xi32, #tpu.memory_space<hbm>> -> memref<1008xi32, #tpu.memory_space<hbm>>
    tpu.enqueue_dma source(%dma_start3A_57 : memref<1008xi32, #tpu.memory_space<hbm>>) target(%dma_start3A_56 : memref<1008xi32, #tpu.memory_space<vmem>>) target_semaphore(%arg15 : memref<!tpu.dma_semaphore, #tpu.memory_space<semaphore_mem>>)
    %dma_start3A_58 = arith.constant 2016 : i32
    %dma_start3A_59 = tpu.memref_slice %arg7[%dma_start3A_58] : memref<4032xi32, #tpu.memory_space<vmem>> -> memref<1008xi32, #tpu.memory_space<vmem>>
    %dma_start3A_60 = tpu.memref_slice %arg3[%add3A_36] : memref<16128xi32, #tpu.memory_space<hbm>> -> memref<1008xi32, #tpu.memory_space<hbm>>
    %dma_start3A_61 = arith.constant 2016 : i32
    %dma_start3A_62 = tpu.memref_slice %arg7[%dma_start3A_61] : memref<4032xi32, #tpu.memory_space<vmem>> -> memref<1008xi32, #tpu.memory_space<vmem>>
    %dma_start3A_63 = tpu.memref_slice %arg3[%add3A_36] : memref<16128xi32, #tpu.memory_space<hbm>> -> memref<1008xi32, #tpu.memory_space<hbm>>
    tpu.enqueue_dma source(%dma_start3A_63 : memref<1008xi32, #tpu.memory_space<hbm>>) target(%dma_start3A_62 : memref<1008xi32, #tpu.memory_space<vmem>>) target_semaphore(%arg15 : memref<!tpu.dma_semaphore, #tpu.memory_space<semaphore_mem>>)
    %dma_start3A_64 = arith.constant 3024 : i32
    %dma_start3A_65 = tpu.memref_slice %arg7[%dma_start3A_64] : memref<4032xi32, #tpu.memory_space<vmem>> -> memref<1008xi32, #tpu.memory_space<vmem>>
    %dma_start3A_66 = tpu.memref_slice %arg3[%add3A_38] : memref<16128xi32, #tpu.memory_space<hbm>> -> memref<1008xi32, #tpu.memory_space<hbm>>
    %dma_start3A_67 = arith.constant 3024 : i32
    %dma_start3A_68 = tpu.memref_slice %arg7[%dma_start3A_67] : memref<4032xi32, #tpu.memory_space<vmem>> -> memref<1008xi32, #tpu.memory_space<vmem>>
    %dma_start3A_69 = tpu.memref_slice %arg3[%add3A_38] : memref<16128xi32, #tpu.memory_space<hbm>> -> memref<1008xi32, #tpu.memory_space<hbm>>
    tpu.enqueue_dma source(%dma_start3A_69 : memref<1008xi32, #tpu.memory_space<hbm>>) target(%dma_start3A_68 : memref<1008xi32, #tpu.memory_space<vmem>>) target_semaphore(%arg15 : memref<!tpu.dma_semaphore, #tpu.memory_space<semaphore_mem>>)
    %broadcast_in_dim3A = arith.constant 0.000000e+00 : f32
    %broadcast_in_dim3A_70 = vector.broadcast %broadcast_in_dim3A : f32 to vector<16xf32>
    %swap3A = arith.constant 0 : index
    %swap3A_71 = tpu.vector_load %arg9[%swap3A] {strides = array<i32>} : memref<1024xf32, #tpu.memory_space<vmem>>, vector<16xf32>,
    tpu.vector_store %arg9[%swap3A], %broadcast_in_dim3A_70 {strides = array<i32>} : memref<1024xf32, #tpu.memory_space<vmem>>, vector<16xf32>,
    %swap3A_72 = arith.constant 16 : index
    %swap3A_73 = tpu.vector_load %arg9[%swap3A_72] {strides = array<i32>} : memref<1024xf32, #tpu.memory_space<vmem>>, vector<16xf32>,
    tpu.vector_store %arg9[%swap3A_72], %broadcast_in_dim3A_70 {strides = array<i32>} : memref<1024xf32, #tpu.memory_space<vmem>>, vector<16xf32>,
    %swap3A_74 = arith.constant 32 : index
    %swap3A_75 = tpu.vector_load %arg9[%swap3A_74] {strides = array<i32>} : memref<1024xf32, #tpu.memory_space<vmem>>, vector<16xf32>,
    tpu.vector_store %arg9[%swap3A_74], %broadcast_in_dim3A_70 {strides = array<i32>} : memref<1024xf32, #tpu.memory_space<vmem>>, vector<16xf32>,
    %swap3A_76 = arith.constant 48 : index
    %swap3A_77 = tpu.vector_load %arg9[%swap3A_76] {strides = array<i32>} : memref<1024xf32, #tpu.memory_space<vmem>>, vector<16xf32>,
    tpu.vector_store %arg9[%swap3A_76], %broadcast_in_dim3A_70 {strides = array<i32>} : memref<1024xf32, #tpu.memory_space<vmem>>, vector<16xf32>,
    %swap3A_78 = arith.constant 64 : index
    %swap3A_79 = tpu.vector_load %arg9[%swap3A_78] {strides = array<i32>} : memref<1024xf32, #tpu.memory_space<vmem>>, vector<16xf32>,
    tpu.vector_store %arg9[%swap3A_78], %broadcast_in_dim3A_70 {strides = array<i32>} : memref<1024xf32, #tpu.memory_space<vmem>>, vector<16xf32>,
    %swap3A_80 = arith.constant 80 : index
    %swap3A_81 = tpu.vector_load %arg9[%swap3A_80] {strides = array<i32>} : memref<1024xf32, #tpu.memory_space<vmem>>, vector<16xf32>,
    tpu.vector_store %arg9[%swap3A_80], %broadcast_in_dim3A_70 {strides = array<i32>} : memref<1024xf32, #tpu.memory_space<vmem>>, vector<16xf32>,
    %swap3A_82 = arith.constant 96 : index
    %swap3A_83 = tpu.vector_load %arg9[%swap3A_82] {strides = array<i32>} : memref<1024xf32, #tpu.memory_space<vmem>>, vector<16xf32>,
    tpu.vector_store %arg9[%swap3A_82], %broadcast_in_dim3A_70 {strides = array<i32>} : memref<1024xf32, #tpu.memory_space<vmem>>, vector<16xf32>,
    %swap3A_84 = arith.constant 112 : index
    %swap3A_85 = tpu.vector_load %arg9[%swap3A_84] {strides = array<i32>} : memref<1024xf32, #tpu.memory_space<vmem>>, vector<16xf32>,
    tpu.vector_store %arg9[%swap3A_84], %broadcast_in_dim3A_70 {strides = array<i32>} : memref<1024xf32, #tpu.memory_space<vmem>>, vector<16xf32>,
    %swap3A_86 = arith.constant 128 : index
    %swap3A_87 = tpu.vector_load %arg9[%swap3A_86] {strides = array<i32>} : memref<1024xf32, #tpu.memory_space<vmem>>, vector<16xf32>,
    tpu.vector_store %arg9[%swap3A_86], %broadcast_in_dim3A_70 {strides = array<i32>} : memref<1024xf32, #tpu.memory_space<vmem>>, vector<16xf32>,
    %swap3A_88 = arith.constant 144 : index
    %swap3A_89 = tpu.vector_load %arg9[%swap3A_88] {strides = array<i32>} : memref<1024xf32, #tpu.memory_space<vmem>>, vector<16xf32>,
    tpu.vector_store %arg9[%swap3A_88], %broadcast_in_dim3A_70 {strides = array<i32>} : memref<1024xf32, #tpu.memory_space<vmem>>, vector<16xf32>,
    %swap3A_90 = arith.constant 160 : index
    %swap3A_91 = tpu.vector_load %arg9[%swap3A_90] {strides = array<i32>} : memref<1024xf32, #tpu.memory_space<vmem>>, vector<16xf32>,
    tpu.vector_store %arg9[%swap3A_90], %broadcast_in_dim3A_70 {strides = array<i32>} : memref<1024xf32, #tpu.memory_space<vmem>>, vector<16xf32>,
    %swap3A_92 = arith.constant 176 : index
    %swap3A_93 = tpu.vector_load %arg9[%swap3A_92] {strides = array<i32>} : memref<1024xf32, #tpu.memory_space<vmem>>, vector<16xf32>,
    tpu.vector_store %arg9[%swap3A_92], %broadcast_in_dim3A_70 {strides = array<i32>} : memref<1024xf32, #tpu.memory_space<vmem>>, vector<16xf32>,
    %swap3A_94 = arith.constant 192 : index
    %swap3A_95 = tpu.vector_load %arg9[%swap3A_94] {strides = array<i32>} : memref<1024xf32, #tpu.memory_space<vmem>>, vector<16xf32>,
    tpu.vector_store %arg9[%swap3A_94], %broadcast_in_dim3A_70 {strides = array<i32>} : memref<1024xf32, #tpu.memory_space<vmem>>, vector<16xf32>,
    %swap3A_96 = arith.constant 208 : index
    %swap3A_97 = tpu.vector_load %arg9[%swap3A_96] {strides = array<i32>} : memref<1024xf32, #tpu.memory_space<vmem>>, vector<16xf32>,
    tpu.vector_store %arg9[%swap3A_96], %broadcast_in_dim3A_70 {strides = array<i32>} : memref<1024xf32, #tpu.memory_space<vmem>>, vector<16xf32>,
    %swap3A_98 = arith.constant 224 : index
    %swap3A_99 = tpu.vector_load %arg9[%swap3A_98] {strides = array<i32>} : memref<1024xf32, #tpu.memory_space<vmem>>, vector<16xf32>,
    tpu.vector_store %arg9[%swap3A_98], %broadcast_in_dim3A_70 {strides = array<i32>} : memref<1024xf32, #tpu.memory_space<vmem>>, vector<16xf32>,
    %swap3A_100 = arith.constant 240 : index
    %swap3A_101 = tpu.vector_load %arg9[%swap3A_100] {strides = array<i32>} : memref<1024xf32, #tpu.memory_space<vmem>>, vector<16xf32>,
    tpu.vector_store %arg9[%swap3A_100], %broadcast_in_dim3A_70 {strides = array<i32>} : memref<1024xf32, #tpu.memory_space<vmem>>, vector<16xf32>,
    %swap3A_102 = arith.constant 256 : index
    %swap3A_103 = tpu.vector_load %arg9[%swap3A_102] {strides = array<i32>} : memref<1024xf32, #tpu.memory_space<vmem>>, vector<16xf32>,
    tpu.vector_store %arg9[%swap3A_102], %broadcast_in_dim3A_70 {strides = array<i32>} : memref<1024xf32, #tpu.memory_space<vmem>>, vector<16xf32>,
    %swap3A_104 = arith.constant 272 : index
    %swap3A_105 = tpu.vector_load %arg9[%swap3A_104] {strides = array<i32>} : memref<1024xf32, #tpu.memory_space<vmem>>, vector<16xf32>,
    tpu.vector_store %arg9[%swap3A_104], %broadcast_in_dim3A_70 {strides = array<i32>} : memref<1024xf32, #tpu.memory_space<vmem>>, vector<16xf32>,
    %swap3A_106 = arith.constant 288 : index
    %swap3A_107 = tpu.vector_load %arg9[%swap3A_106] {strides = array<i32>} : memref<1024xf32, #tpu.memory_space<vmem>>, vector<16xf32>,
    tpu.vector_store %arg9[%swap3A_106], %broadcast_in_dim3A_70 {strides = array<i32>} : memref<1024xf32, #tpu.memory_space<vmem>>, vector<16xf32>,
    %swap3A_108 = arith.constant 304 : index
    %swap3A_109 = tpu.vector_load %arg9[%swap3A_108] {strides = array<i32>} : memref<1024xf32, #tpu.memory_space<vmem>>, vector<16xf32>,
    tpu.vector_store %arg9[%swap3A_108], %broadcast_in_dim3A_70 {strides = array<i32>} : memref<1024xf32, #tpu.memory_space<vmem>>, vector<16xf32>,
    %swap3A_110 = arith.constant 320 : index
    %swap3A_111 = tpu.vector_load %arg9[%swap3A_110] {strides = array<i32>} : memref<1024xf32, #tpu.memory_space<vmem>>, vector<16xf32>,
    tpu.vector_store %arg9[%swap3A_110], %broadcast_in_dim3A_70 {strides = array<i32>} : memref<1024xf32, #tpu.memory_space<vmem>>, vector<16xf32>,
    %swap3A_112 = arith.constant 336 : index
    %swap3A_113 = tpu.vector_load %arg9[%swap3A_112] {strides = array<i32>} : memref<1024xf32, #tpu.memory_space<vmem>>, vector<16xf32>,
    tpu.vector_store %arg9[%swap3A_112], %broadcast_in_dim3A_70 {strides = array<i32>} : memref<1024xf32, #tpu.memory_space<vmem>>, vector<16xf32>,
    %swap3A_114 = arith.constant 352 : index
    %swap3A_115 = tpu.vector_load %arg9[%swap3A_114] {strides = array<i32>} : memref<1024xf32, #tpu.memory_space<vmem>>, vector<16xf32>,
    tpu.vector_store %arg9[%swap3A_114], %broadcast_in_dim3A_70 {strides = array<i32>} : memref<1024xf32, #tpu.memory_space<vmem>>, vector<16xf32>,
    %swap3A_116 = arith.constant 368 : index
    %swap3A_117 = tpu.vector_load %arg9[%swap3A_116] {strides = array<i32>} : memref<1024xf32, #tpu.memory_space<vmem>>, vector<16xf32>,
    tpu.vector_store %arg9[%swap3A_116], %broadcast_in_dim3A_70 {strides = array<i32>} : memref<1024xf32, #tpu.memory_space<vmem>>, vector<16xf32>,
    %swap3A_118 = arith.constant 384 : index
    %swap3A_119 = tpu.vector_load %arg9[%swap3A_118] {strides = array<i32>} : memref<1024xf32, #tpu.memory_space<vmem>>, vector<16xf32>,
    tpu.vector_store %arg9[%swap3A_118], %broadcast_in_dim3A_70 {strides = array<i32>} : memref<1024xf32, #tpu.memory_space<vmem>>, vector<16xf32>,
    %swap3A_120 = arith.constant 400 : index
    %swap3A_121 = tpu.vector_load %arg9[%swap3A_120] {strides = array<i32>} : memref<1024xf32, #tpu.memory_space<vmem>>, vector<16xf32>,
    tpu.vector_store %arg9[%swap3A_120], %broadcast_in_dim3A_70 {strides = array<i32>} : memref<1024xf32, #tpu.memory_space<vmem>>, vector<16xf32>,
    %swap3A_122 = arith.constant 416 : index
    %swap3A_123 = tpu.vector_load %arg9[%swap3A_122] {strides = array<i32>} : memref<1024xf32, #tpu.memory_space<vmem>>, vector<16xf32>,
    tpu.vector_store %arg9[%swap3A_122], %broadcast_in_dim3A_70 {strides = array<i32>} : memref<1024xf32, #tpu.memory_space<vmem>>, vector<16xf32>,
    %swap3A_124 = arith.constant 432 : index
    %swap3A_125 = tpu.vector_load %arg9[%swap3A_124] {strides = array<i32>} : memref<1024xf32, #tpu.memory_space<vmem>>, vector<16xf32>,
    tpu.vector_store %arg9[%swap3A_124], %broadcast_in_dim3A_70 {strides = array<i32>} : memref<1024xf32, #tpu.memory_space<vmem>>, vector<16xf32>,
    %swap3A_126 = arith.constant 448 : index
    %swap3A_127 = tpu.vector_load %arg9[%swap3A_126] {strides = array<i32>} : memref<1024xf32, #tpu.memory_space<vmem>>, vector<16xf32>,
    tpu.vector_store %arg9[%swap3A_126], %broadcast_in_dim3A_70 {strides = array<i32>} : memref<1024xf32, #tpu.memory_space<vmem>>, vector<16xf32>,
    %swap3A_128 = arith.constant 464 : index
    %swap3A_129 = tpu.vector_load %arg9[%swap3A_128] {strides = array<i32>} : memref<1024xf32, #tpu.memory_space<vmem>>, vector<16xf32>,
    tpu.vector_store %arg9[%swap3A_128], %broadcast_in_dim3A_70 {strides = array<i32>} : memref<1024xf32, #tpu.memory_space<vmem>>, vector<16xf32>,
    %swap3A_130 = arith.constant 480 : index
    %swap3A_131 = tpu.vector_load %arg9[%swap3A_130] {strides = array<i32>} : memref<1024xf32, #tpu.memory_space<vmem>>, vector<16xf32>,
    tpu.vector_store %arg9[%swap3A_130], %broadcast_in_dim3A_70 {strides = array<i32>} : memref<1024xf32, #tpu.memory_space<vmem>>, vector<16xf32>,
    %swap3A_132 = arith.constant 496 : index
    %swap3A_133 = tpu.vector_load %arg9[%swap3A_132] {strides = array<i32>} : memref<1024xf32, #tpu.memory_space<vmem>>, vector<16xf32>,
    tpu.vector_store %arg9[%swap3A_132], %broadcast_in_dim3A_70 {strides = array<i32>} : memref<1024xf32, #tpu.memory_space<vmem>>, vector<16xf32>,
    %swap3A_134 = arith.constant 512 : index
    %swap3A_135 = tpu.vector_load %arg9[%swap3A_134] {strides = array<i32>} : memref<1024xf32, #tpu.memory_space<vmem>>, vector<16xf32>,
    tpu.vector_store %arg9[%swap3A_134], %broadcast_in_dim3A_70 {strides = array<i32>} : memref<1024xf32, #tpu.memory_space<vmem>>, vector<16xf32>,
    %swap3A_136 = arith.constant 528 : index
    %swap3A_137 = tpu.vector_load %arg9[%swap3A_136] {strides = array<i32>} : memref<1024xf32, #tpu.memory_space<vmem>>, vector<16xf32>,
    tpu.vector_store %arg9[%swap3A_136], %broadcast_in_dim3A_70 {strides = array<i32>} : memref<1024xf32, #tpu.memory_space<vmem>>, vector<16xf32>,
    %swap3A_138 = arith.constant 544 : index
    %swap3A_139 = tpu.vector_load %arg9[%swap3A_138] {strides = array<i32>} : memref<1024xf32, #tpu.memory_space<vmem>>, vector<16xf32>,
    tpu.vector_store %arg9[%swap3A_138], %broadcast_in_dim3A_70 {strides = array<i32>} : memref<1024xf32, #tpu.memory_space<vmem>>, vector<16xf32>,
    %swap3A_140 = arith.constant 560 : index
    %swap3A_141 = tpu.vector_load %arg9[%swap3A_140] {strides = array<i32>} : memref<1024xf32, #tpu.memory_space<vmem>>, vector<16xf32>,
    tpu.vector_store %arg9[%swap3A_140], %broadcast_in_dim3A_70 {strides = array<i32>} : memref<1024xf32, #tpu.memory_space<vmem>>, vector<16xf32>,
    %swap3A_142 = arith.constant 576 : index
    %swap3A_143 = tpu.vector_load %arg9[%swap3A_142] {strides = array<i32>} : memref<1024xf32, #tpu.memory_space<vmem>>, vector<16xf32>,
    tpu.vector_store %arg9[%swap3A_142], %broadcast_in_dim3A_70 {strides = array<i32>} : memref<1024xf32, #tpu.memory_space<vmem>>, vector<16xf32>,
    %swap3A_144 = arith.constant 592 : index
    %swap3A_145 = tpu.vector_load %arg9[%swap3A_144] {strides = array<i32>} : memref<1024xf32, #tpu.memory_space<vmem>>, vector<16xf32>,
    tpu.vector_store %arg9[%swap3A_144], %broadcast_in_dim3A_70 {strides = array<i32>} : memref<1024xf32, #tpu.memory_space<vmem>>, vector<16xf32>,
    %swap3A_146 = arith.constant 608 : index
    %swap3A_147 = tpu.vector_load %arg9[%swap3A_146] {strides = array<i32>} : memref<1024xf32, #tpu.memory_space<vmem>>, vector<16xf32>,
    tpu.vector_store %arg9[%swap3A_146], %broadcast_in_dim3A_70 {strides = array<i32>} : memref<1024xf32, #tpu.memory_space<vmem>>, vector<16xf32>,
    %swap3A_148 = arith.constant 624 : index
    %swap3A_149 = tpu.vector_load %arg9[%swap3A_148] {strides = array<i32>} : memref<1024xf32, #tpu.memory_space<vmem>>, vector<16xf32>,
    tpu.vector_store %arg9[%swap3A_148], %broadcast_in_dim3A_70 {strides = array<i32>} : memref<1024xf32, #tpu.memory_space<vmem>>, vector<16xf32>,
    %swap3A_150 = arith.constant 640 : index
    %swap3A_151 = tpu.vector_load %arg9[%swap3A_150] {strides = array<i32>} : memref<1024xf32, #tpu.memory_space<vmem>>, vector<16xf32>,
    tpu.vector_store %arg9[%swap3A_150], %broadcast_in_dim3A_70 {strides = array<i32>} : memref<1024xf32, #tpu.memory_space<vmem>>, vector<16xf32>,
    %swap3A_152 = arith.constant 656 : index
    %swap3A_153 = tpu.vector_load %arg9[%swap3A_152] {strides = array<i32>} : memref<1024xf32, #tpu.memory_space<vmem>>, vector<16xf32>,
    tpu.vector_store %arg9[%swap3A_152], %broadcast_in_dim3A_70 {strides = array<i32>} : memref<1024xf32, #tpu.memory_space<vmem>>, vector<16xf32>,
    %swap3A_154 = arith.constant 672 : index
    %swap3A_155 = tpu.vector_load %arg9[%swap3A_154] {strides = array<i32>} : memref<1024xf32, #tpu.memory_space<vmem>>, vector<16xf32>,
    tpu.vector_store %arg9[%swap3A_154], %broadcast_in_dim3A_70 {strides = array<i32>} : memref<1024xf32, #tpu.memory_space<vmem>>, vector<16xf32>,
    %swap3A_156 = arith.constant 688 : index
    %swap3A_157 = tpu.vector_load %arg9[%swap3A_156] {strides = array<i32>} : memref<1024xf32, #tpu.memory_space<vmem>>, vector<16xf32>,
    tpu.vector_store %arg9[%swap3A_156], %broadcast_in_dim3A_70 {strides = array<i32>} : memref<1024xf32, #tpu.memory_space<vmem>>, vector<16xf32>,
    %swap3A_158 = arith.constant 704 : index
    %swap3A_159 = tpu.vector_load %arg9[%swap3A_158] {strides = array<i32>} : memref<1024xf32, #tpu.memory_space<vmem>>, vector<16xf32>,
    tpu.vector_store %arg9[%swap3A_158], %broadcast_in_dim3A_70 {strides = array<i32>} : memref<1024xf32, #tpu.memory_space<vmem>>, vector<16xf32>,
    %swap3A_160 = arith.constant 720 : index
    %swap3A_161 = tpu.vector_load %arg9[%swap3A_160] {strides = array<i32>} : memref<1024xf32, #tpu.memory_space<vmem>>, vector<16xf32>,
    tpu.vector_store %arg9[%swap3A_160], %broadcast_in_dim3A_70 {strides = array<i32>} : memref<1024xf32, #tpu.memory_space<vmem>>, vector<16xf32>,
    %swap3A_162 = arith.constant 736 : index
    %swap3A_163 = tpu.vector_load %arg9[%swap3A_162] {strides = array<i32>} : memref<1024xf32, #tpu.memory_space<vmem>>, vector<16xf32>,
    tpu.vector_store %arg9[%swap3A_162], %broadcast_in_dim3A_70 {strides = array<i32>} : memref<1024xf32, #tpu.memory_space<vmem>>, vector<16xf32>,
    %swap3A_164 = arith.constant 752 : index
    %swap3A_165 = tpu.vector_load %arg9[%swap3A_164] {strides = array<i32>} : memref<1024xf32, #tpu.memory_space<vmem>>, vector<16xf32>,
    tpu.vector_store %arg9[%swap3A_164], %broadcast_in_dim3A_70 {strides = array<i32>} : memref<1024xf32, #tpu.memory_space<vmem>>, vector<16xf32>,
    %swap3A_166 = arith.constant 768 : index
    %swap3A_167 = tpu.vector_load %arg9[%swap3A_166] {strides = array<i32>} : memref<1024xf32, #tpu.memory_space<vmem>>, vector<16xf32>,
    tpu.vector_store %arg9[%swap3A_166], %broadcast_in_dim3A_70 {strides = array<i32>} : memref<1024xf32, #tpu.memory_space<vmem>>, vector<16xf32>,
    %swap3A_168 = arith.constant 784 : index
    %swap3A_169 = tpu.vector_load %arg9[%swap3A_168] {strides = array<i32>} : memref<1024xf32, #tpu.memory_space<vmem>>, vector<16xf32>,
    tpu.vector_store %arg9[%swap3A_168], %broadcast_in_dim3A_70 {strides = array<i32>} : memref<1024xf32, #tpu.memory_space<vmem>>, vector<16xf32>,
    %swap3A_170 = arith.constant 800 : index
    %swap3A_171 = tpu.vector_load %arg9[%swap3A_170] {strides = array<i32>} : memref<1024xf32, #tpu.memory_space<vmem>>, vector<16xf32>,
    tpu.vector_store %arg9[%swap3A_170], %broadcast_in_dim3A_70 {strides = array<i32>} : memref<1024xf32, #tpu.memory_space<vmem>>, vector<16xf32>,
    %swap3A_172 = arith.constant 816 : index
    %swap3A_173 = tpu.vector_load %arg9[%swap3A_172] {strides = array<i32>} : memref<1024xf32, #tpu.memory_space<vmem>>, vector<16xf32>,
    tpu.vector_store %arg9[%swap3A_172], %broadcast_in_dim3A_70 {strides = array<i32>} : memref<1024xf32, #tpu.memory_space<vmem>>, vector<16xf32>,
    %swap3A_174 = arith.constant 832 : index
    %swap3A_175 = tpu.vector_load %arg9[%swap3A_174] {strides = array<i32>} : memref<1024xf32, #tpu.memory_space<vmem>>, vector<16xf32>,
    tpu.vector_store %arg9[%swap3A_174], %broadcast_in_dim3A_70 {strides = array<i32>} : memref<1024xf32, #tpu.memory_space<vmem>>, vector<16xf32>,
    %swap3A_176 = arith.constant 848 : index
    %swap3A_177 = tpu.vector_load %arg9[%swap3A_176] {strides = array<i32>} : memref<1024xf32, #tpu.memory_space<vmem>>, vector<16xf32>,
    tpu.vector_store %arg9[%swap3A_176], %broadcast_in_dim3A_70 {strides = array<i32>} : memref<1024xf32, #tpu.memory_space<vmem>>, vector<16xf32>,
    %swap3A_178 = arith.constant 864 : index
    %swap3A_179 = tpu.vector_load %arg9[%swap3A_178] {strides = array<i32>} : memref<1024xf32, #tpu.memory_space<vmem>>, vector<16xf32>,
    tpu.vector_store %arg9[%swap3A_178], %broadcast_in_dim3A_70 {strides = array<i32>} : memref<1024xf32, #tpu.memory_space<vmem>>, vector<16xf32>,
    %swap3A_180 = arith.constant 880 : index
    %swap3A_181 = tpu.vector_load %arg9[%swap3A_180] {strides = array<i32>} : memref<1024xf32, #tpu.memory_space<vmem>>, vector<16xf32>,
    tpu.vector_store %arg9[%swap3A_180], %broadcast_in_dim3A_70 {strides = array<i32>} : memref<1024xf32, #tpu.memory_space<vmem>>, vector<16xf32>,
    %swap3A_182 = arith.constant 896 : index
    %swap3A_183 = tpu.vector_load %arg9[%swap3A_182] {strides = array<i32>} : memref<1024xf32, #tpu.memory_space<vmem>>, vector<16xf32>,
    tpu.vector_store %arg9[%swap3A_182], %broadcast_in_dim3A_70 {strides = array<i32>} : memref<1024xf32, #tpu.memory_space<vmem>>, vector<16xf32>,
    %swap3A_184 = arith.constant 912 : index
    %swap3A_185 = tpu.vector_load %arg9[%swap3A_184] {strides = array<i32>} : memref<1024xf32, #tpu.memory_space<vmem>>, vector<16xf32>,
    tpu.vector_store %arg9[%swap3A_184], %broadcast_in_dim3A_70 {strides = array<i32>} : memref<1024xf32, #tpu.memory_space<vmem>>, vector<16xf32>,
    %swap3A_186 = arith.constant 928 : index
    %swap3A_187 = tpu.vector_load %arg9[%swap3A_186] {strides = array<i32>} : memref<1024xf32, #tpu.memory_space<vmem>>, vector<16xf32>,
    tpu.vector_store %arg9[%swap3A_186], %broadcast_in_dim3A_70 {strides = array<i32>} : memref<1024xf32, #tpu.memory_space<vmem>>, vector<16xf32>,
    %swap3A_188 = arith.constant 944 : index
    %swap3A_189 = tpu.vector_load %arg9[%swap3A_188] {strides = array<i32>} : memref<1024xf32, #tpu.memory_space<vmem>>, vector<16xf32>,
    tpu.vector_store %arg9[%swap3A_188], %broadcast_in_dim3A_70 {strides = array<i32>} : memref<1024xf32, #tpu.memory_space<vmem>>, vector<16xf32>,
    %swap3A_190 = arith.constant 960 : index
    %swap3A_191 = tpu.vector_load %arg9[%swap3A_190] {strides = array<i32>} : memref<1024xf32, #tpu.memory_space<vmem>>, vector<16xf32>,
    tpu.vector_store %arg9[%swap3A_190], %broadcast_in_dim3A_70 {strides = array<i32>} : memref<1024xf32, #tpu.memory_space<vmem>>, vector<16xf32>,
    %swap3A_192 = arith.constant 976 : index
    %swap3A_193 = tpu.vector_load %arg9[%swap3A_192] {strides = array<i32>} : memref<1024xf32, #tpu.memory_space<vmem>>, vector<16xf32>,
    tpu.vector_store %arg9[%swap3A_192], %broadcast_in_dim3A_70 {strides = array<i32>} : memref<1024xf32, #tpu.memory_space<vmem>>, vector<16xf32>,
    %swap3A_194 = arith.constant 992 : index
    %swap3A_195 = tpu.vector_load %arg9[%swap3A_194] {strides = array<i32>} : memref<1024xf32, #tpu.memory_space<vmem>>, vector<16xf32>,
    tpu.vector_store %arg9[%swap3A_194], %broadcast_in_dim3A_70 {strides = array<i32>} : memref<1024xf32, #tpu.memory_space<vmem>>, vector<16xf32>,
    %swap3A_196 = arith.constant 1008 : index
    %swap3A_197 = tpu.vector_load %arg9[%swap3A_196] {strides = array<i32>} : memref<1024xf32, #tpu.memory_space<vmem>>, vector<16xf32>,
    tpu.vector_store %arg9[%swap3A_196], %broadcast_in_dim3A_70 {strides = array<i32>} : memref<1024xf32, #tpu.memory_space<vmem>>, vector<16xf32>,
    %dma_wait3A = arith.constant 0 : i32
    %dma_wait3A_198 = arith.constant 0 : i32
    %dma_wait3A_199 = tpu.memref_slice %arg2[%add3A, %dma_wait3A, %dma_wait3A_198] : memref<8x72x128xf32, #tpu.memory_space<hbm>> -> memref<1x72x128xf32, #tpu.memory_space<hbm>>
    %dma_wait3A_200 = tpu.memref_squeeze %dma_wait3A_199 : memref<1x72x128xf32, #tpu.memory_space<hbm>> -> memref<72x128xf32, #tpu.memory_space<hbm>>
    %dma_wait3A_201 = arith.constant 0 : i32
    %dma_wait3A_202 = arith.constant 0 : i32
    %dma_wait3A_203 = tpu.memref_slice %arg2[%add3A, %dma_wait3A_201, %dma_wait3A_202] : memref<8x72x128xf32, #tpu.memory_space<hbm>> -> memref<1x72x128xf32, #tpu.memory_space<hbm>>
    %dma_wait3A_204 = tpu.memref_squeeze %dma_wait3A_203 : memref<1x72x128xf32, #tpu.memory_space<hbm>> -> memref<72x128xf32, #tpu.memory_space<hbm>>
    tpu.wait_dma2 semaphore(%arg15 : memref<!tpu.dma_semaphore, #tpu.memory_space<semaphore_mem>>) src(%dma_wait3A_204 : memref<72x128xf32, #tpu.memory_space<hbm>>) dst(%arg6 : memref<72x128xf32, #tpu.memory_space<vmem>>)
    %dma_wait3A_205 = arith.constant 0 : i32
    %dma_wait3A_206 = tpu.memref_slice %arg7[%dma_wait3A_205] : memref<4032xi32, #tpu.memory_space<vmem>> -> memref<1008xi32, #tpu.memory_space<vmem>>
    %dma_wait3A_207 = tpu.memref_slice %arg3[%mul3A_32] : memref<16128xi32, #tpu.memory_space<hbm>> -> memref<1008xi32, #tpu.memory_space<hbm>>
    %dma_wait3A_208 = arith.constant 0 : i32
    %dma_wait3A_209 = tpu.memref_slice %arg7[%dma_wait3A_208] : memref<4032xi32, #tpu.memory_space<vmem>> -> memref<1008xi32, #tpu.memory_space<vmem>>
    %dma_wait3A_210 = tpu.memref_slice %arg3[%mul3A_32] : memref<16128xi32, #tpu.memory_space<hbm>> -> memref<1008xi32, #tpu.memory_space<hbm>>
    tpu.wait_dma2 semaphore(%arg15 : memref<!tpu.dma_semaphore, #tpu.memory_space<semaphore_mem>>) src(%dma_wait3A_210 : memref<1008xi32, #tpu.memory_space<hbm>>) dst(%dma_wait3A_209 : memref<1008xi32, #tpu.memory_space<vmem>>)
    %dma_wait3A_211 = arith.constant 1008 : i32
    %dma_wait3A_212 = tpu.memref_slice %arg7[%dma_wait3A_211] : memref<4032xi32, #tpu.memory_space<vmem>> -> memref<1008xi32, #tpu.memory_space<vmem>>
    %dma_wait3A_213 = tpu.memref_slice %arg3[%add3A_34] : memref<16128xi32, #tpu.memory_space<hbm>> -> memref<1008xi32, #tpu.memory_space<hbm>>
    %dma_wait3A_214 = arith.constant 1008 : i32
    %dma_wait3A_215 = tpu.memref_slice %arg7[%dma_wait3A_214] : memref<4032xi32, #tpu.memory_space<vmem>> -> memref<1008xi32, #tpu.memory_space<vmem>>
    %dma_wait3A_216 = tpu.memref_slice %arg3[%add3A_34] : memref<16128xi32, #tpu.memory_space<hbm>> -> memref<1008xi32, #tpu.memory_space<hbm>>
    tpu.wait_dma2 semaphore(%arg15 : memref<!tpu.dma_semaphore, #tpu.memory_space<semaphore_mem>>) src(%dma_wait3A_216 : memref<1008xi32, #tpu.memory_space<hbm>>) dst(%dma_wait3A_215 : memref<1008xi32, #tpu.memory_space<vmem>>)
    %dma_wait3A_217 = arith.constant 2016 : i32
    %dma_wait3A_218 = tpu.memref_slice %arg7[%dma_wait3A_217] : memref<4032xi32, #tpu.memory_space<vmem>> -> memref<1008xi32, #tpu.memory_space<vmem>>
    %dma_wait3A_219 = tpu.memref_slice %arg3[%add3A_36] : memref<16128xi32, #tpu.memory_space<hbm>> -> memref<1008xi32, #tpu.memory_space<hbm>>
    %dma_wait3A_220 = arith.constant 2016 : i32
    %dma_wait3A_221 = tpu.memref_slice %arg7[%dma_wait3A_220] : memref<4032xi32, #tpu.memory_space<vmem>> -> memref<1008xi32, #tpu.memory_space<vmem>>
    %dma_wait3A_222 = tpu.memref_slice %arg3[%add3A_36] : memref<16128xi32, #tpu.memory_space<hbm>> -> memref<1008xi32, #tpu.memory_space<hbm>>
    tpu.wait_dma2 semaphore(%arg15 : memref<!tpu.dma_semaphore, #tpu.memory_space<semaphore_mem>>) src(%dma_wait3A_222 : memref<1008xi32, #tpu.memory_space<hbm>>) dst(%dma_wait3A_221 : memref<1008xi32, #tpu.memory_space<vmem>>)
    %dma_wait3A_223 = arith.constant 3024 : i32
    %dma_wait3A_224 = tpu.memref_slice %arg7[%dma_wait3A_223] : memref<4032xi32, #tpu.memory_space<vmem>> -> memref<1008xi32, #tpu.memory_space<vmem>>
    %dma_wait3A_225 = tpu.memref_slice %arg3[%add3A_38] : memref<16128xi32, #tpu.memory_space<hbm>> -> memref<1008xi32, #tpu.memory_space<hbm>>
    %dma_wait3A_226 = arith.constant 3024 : i32
    %dma_wait3A_227 = tpu.memref_slice %arg7[%dma_wait3A_226] : memref<4032xi32, #tpu.memory_space<vmem>> -> memref<1008xi32, #tpu.memory_space<vmem>>
    %dma_wait3A_228 = tpu.memref_slice %arg3[%add3A_38] : memref<16128xi32, #tpu.memory_space<hbm>> -> memref<1008xi32, #tpu.memory_space<hbm>>
    tpu.wait_dma2 semaphore(%arg15 : memref<!tpu.dma_semaphore, #tpu.memory_space<semaphore_mem>>) src(%dma_wait3A_228 : memref<1008xi32, #tpu.memory_space<hbm>>) dst(%dma_wait3A_227 : memref<1008xi32, #tpu.memory_space<vmem>>)
    %iota3A = tpu.iota {dimensions = array<i32: 0>} : vector<16xi32>
    %mul3A_229 = arith.constant 64 : i32
    %mul3A_230 = vector.broadcast %mul3A_229 : i32 to vector<16xi32>
    %mul3A_231 = arith.muli %iota3A, %mul3A_230 : vector<16xi32>
    %scan3A = arith.constant 0 : i32
    %scan3A_232 = arith.constant 0 : i32
    %scan3A_233 = arith.constant 21 : i32
    %scan3A_234 = arith.addi %scan3A_232, %scan3A_233 : i32
    %scan3A_235 = arith.constant 1 : i32
    scf.for %scan3A_468 = %scan3A_232 to %scan3A_234 step %scan3A_235  : i32 {
      %mul3A_469 = arith.constant 48 : i32
      %mul3A_470 = arith.muli %scan3A_468, %mul3A_469 : i32
      %add3A_471 = arith.constant 0 : i32
      %add3A_472 = arith.addi %mul3A_470, %add3A_471 : i32
      %add3A_473 = arith.constant 2016 : i32
      %add3A_474 = arith.addi %add3A_473, %add3A_472 : i32
      %get3A_475 = arith.index_cast %add3A_474 : i32 to index
      %get3A_476 = tpu.vector_load %arg7[%get3A_475] {strides = array<i32>} : memref<4032xi32, #tpu.memory_space<vmem>>, vector<16xi32>,
      %add3A_477 = arith.constant 3024 : i32
      %add3A_478 = arith.addi %add3A_477, %add3A_472 : i32
      %get3A_479 = arith.index_cast %add3A_478 : i32 to index
      %get3A_480 = tpu.vector_load %arg7[%get3A_479] {strides = array<i32>} : memref<4032xi32, #tpu.memory_space<vmem>>, vector<16xi32>,
      %gather3A = tpu.vector_load_idx %arg6[%get3A_476, %get3A_480] : memref<72x128xf32, #tpu.memory_space<vmem>>[vector<16xi32>, vector<16xi32>], vector<16xf32>,
      %swap3A_481 = arith.index_cast %add3A_472 : i32 to index
      %swap3A_482 = tpu.vector_load %arg8[%swap3A_481] {strides = array<i32>} : memref<1008xf32, #tpu.memory_space<vmem>>, vector<16xf32>,
      tpu.vector_store %arg8[%swap3A_481], %gather3A {strides = array<i32>} : memref<1008xf32, #tpu.memory_space<vmem>>, vector<16xf32>,
      %get3A_483 = arith.index_cast %add3A_472 : i32 to index
      %get3A_484 = tpu.vector_load %arg7[%get3A_483] {strides = array<i32>} : memref<4032xi32, #tpu.memory_space<vmem>>, vector<16xi32>,
      %gather3A_485 = tpu.vector_load_idx %arg6[%get3A_484, %get3A_484] : memref<72x128xf32, #tpu.memory_space<vmem>>[vector<16xi32>, vector<16xi32>], vector<16xf32>,
      %add3A_486 = arith.constant 1008 : i32
      %add3A_487 = arith.addi %add3A_486, %add3A_472 : i32
      %get3A_488 = arith.index_cast %add3A_487 : i32 to index
      %get3A_489 = tpu.vector_load %arg7[%get3A_488] {strides = array<i32>} : memref<4032xi32, #tpu.memory_space<vmem>>, vector<16xi32>,
      %add3A_490 = arith.addi %mul3A_231, %get3A_489 : vector<16xi32>
      %mul3A_491 = arith.mulf %gather3A, %gather3A_485 : vector<16xf32>
      tpu.vector_store_idx %arg9[%add3A_490], %mul3A_491 {add = true} : memref<1024xf32, #tpu.memory_space<vmem>>[vector<16xi32>], vector<16xf32>,
      %mul3A_492 = arith.constant 48 : i32
      %mul3A_493 = arith.muli %scan3A_468, %mul3A_492 : i32
      %add3A_494 = arith.constant 16 : i32
      %add3A_495 = arith.addi %mul3A_493, %add3A_494 : i32
      %add3A_496 = arith.constant 2016 : i32
      %add3A_497 = arith.addi %add3A_496, %add3A_495 : i32
      %get3A_498 = arith.index_cast %add3A_497 : i32 to index
      %get3A_499 = tpu.vector_load %arg7[%get3A_498] {strides = array<i32>} : memref<4032xi32, #tpu.memory_space<vmem>>, vector<16xi32>,
      %add3A_500 = arith.constant 3024 : i32
      %add3A_501 = arith.addi %add3A_500, %add3A_495 : i32
      %get3A_502 = arith.index_cast %add3A_501 : i32 to index
      %get3A_503 = tpu.vector_load %arg7[%get3A_502] {strides = array<i32>} : memref<4032xi32, #tpu.memory_space<vmem>>, vector<16xi32>,
      %gather3A_504 = tpu.vector_load_idx %arg6[%get3A_499, %get3A_503] : memref<72x128xf32, #tpu.memory_space<vmem>>[vector<16xi32>, vector<16xi32>], vector<16xf32>,
      %swap3A_505 = arith.index_cast %add3A_495 : i32 to index
      %swap3A_506 = tpu.vector_load %arg8[%swap3A_505] {strides = array<i32>} : memref<1008xf32, #tpu.memory_space<vmem>>, vector<16xf32>,
      tpu.vector_store %arg8[%swap3A_505], %gather3A_504 {strides = array<i32>} : memref<1008xf32, #tpu.memory_space<vmem>>, vector<16xf32>,
      %get3A_507 = arith.index_cast %add3A_495 : i32 to index
      %get3A_508 = tpu.vector_load %arg7[%get3A_507] {strides = array<i32>} : memref<4032xi32, #tpu.memory_space<vmem>>, vector<16xi32>,
      %gather3A_509 = tpu.vector_load_idx %arg6[%get3A_508, %get3A_508] : memref<72x128xf32, #tpu.memory_space<vmem>>[vector<16xi32>, vector<16xi32>], vector<16xf32>,
      %add3A_510 = arith.constant 1008 : i32
      %add3A_511 = arith.addi %add3A_510, %add3A_495 : i32
      %get3A_512 = arith.index_cast %add3A_511 : i32 to index
      %get3A_513 = tpu.vector_load %arg7[%get3A_512] {strides = array<i32>} : memref<4032xi32, #tpu.memory_space<vmem>>, vector<16xi32>,
      %add3A_514 = arith.addi %mul3A_231, %get3A_513 : vector<16xi32>
      %mul3A_515 = arith.mulf %gather3A_504, %gather3A_509 : vector<16xf32>
      tpu.vector_store_idx %arg9[%add3A_514], %mul3A_515 {add = true} : memref<1024xf32, #tpu.memory_space<vmem>>[vector<16xi32>], vector<16xf32>,
      %mul3A_516 = arith.constant 48 : i32
      %mul3A_517 = arith.muli %scan3A_468, %mul3A_516 : i32
      %add3A_518 = arith.constant 32 : i32
      %add3A_519 = arith.addi %mul3A_517, %add3A_518 : i32
      %add3A_520 = arith.constant 2016 : i32
      %add3A_521 = arith.addi %add3A_520, %add3A_519 : i32
      %get3A_522 = arith.index_cast %add3A_521 : i32 to index
      %get3A_523 = tpu.vector_load %arg7[%get3A_522] {strides = array<i32>} : memref<4032xi32, #tpu.memory_space<vmem>>, vector<16xi32>,
      %add3A_524 = arith.constant 3024 : i32
      %add3A_525 = arith.addi %add3A_524, %add3A_519 : i32
      %get3A_526 = arith.index_cast %add3A_525 : i32 to index
      %get3A_527 = tpu.vector_load %arg7[%get3A_526] {strides = array<i32>} : memref<4032xi32, #tpu.memory_space<vmem>>, vector<16xi32>,
      %gather3A_528 = tpu.vector_load_idx %arg6[%get3A_523, %get3A_527] : memref<72x128xf32, #tpu.memory_space<vmem>>[vector<16xi32>, vector<16xi32>], vector<16xf32>,
      %swap3A_529 = arith.index_cast %add3A_519 : i32 to index
      %swap3A_530 = tpu.vector_load %arg8[%swap3A_529] {strides = array<i32>} : memref<1008xf32, #tpu.memory_space<vmem>>, vector<16xf32>,
      tpu.vector_store %arg8[%swap3A_529], %gather3A_528 {strides = array<i32>} : memref<1008xf32, #tpu.memory_space<vmem>>, vector<16xf32>,
      %get3A_531 = arith.index_cast %add3A_519 : i32 to index
      %get3A_532 = tpu.vector_load %arg7[%get3A_531] {strides = array<i32>} : memref<4032xi32, #tpu.memory_space<vmem>>, vector<16xi32>,
      %gather3A_533 = tpu.vector_load_idx %arg6[%get3A_532, %get3A_532] : memref<72x128xf32, #tpu.memory_space<vmem>>[vector<16xi32>, vector<16xi32>], vector<16xf32>,
      %add3A_534 = arith.constant 1008 : i32
      %add3A_535 = arith.addi %add3A_534, %add3A_519 : i32
      %get3A_536 = arith.index_cast %add3A_535 : i32 to index
      %get3A_537 = tpu.vector_load %arg7[%get3A_536] {strides = array<i32>} : memref<4032xi32, #tpu.memory_space<vmem>>, vector<16xi32>,
      %add3A_538 = arith.addi %mul3A_231, %get3A_537 : vector<16xi32>
      %mul3A_539 = arith.mulf %gather3A_528, %gather3A_533 : vector<16xf32>
      tpu.vector_store_idx %arg9[%add3A_538], %mul3A_539 {add = true} : memref<1024xf32, #tpu.memory_space<vmem>>[vector<16xi32>], vector<16xf32>,
    }
    %scan3A_236 = arith.constant 21 : i32
    %get3A = arith.constant 0 : index
    %get3A_237 = tpu.vector_load %arg9[%get3A] {strides = array<i32>} : memref<1024xf32, #tpu.memory_space<vmem>>, vector<16xf32>,
    %get3A_238 = arith.constant 64 : index
    %get3A_239 = tpu.vector_load %arg9[%get3A_238] {strides = array<i32>} : memref<1024xf32, #tpu.memory_space<vmem>>, vector<16xf32>,
    %add3A_240 = arith.addf %get3A_237, %get3A_239 : vector<16xf32>
    %get3A_241 = arith.constant 128 : index
    %get3A_242 = tpu.vector_load %arg9[%get3A_241] {strides = array<i32>} : memref<1024xf32, #tpu.memory_space<vmem>>, vector<16xf32>,
    %add3A_243 = arith.addf %add3A_240, %get3A_242 : vector<16xf32>
    %get3A_244 = arith.constant 192 : index
    %get3A_245 = tpu.vector_load %arg9[%get3A_244] {strides = array<i32>} : memref<1024xf32, #tpu.memory_space<vmem>>, vector<16xf32>,
    %add3A_246 = arith.addf %add3A_243, %get3A_245 : vector<16xf32>
    %get3A_247 = arith.constant 256 : index
    %get3A_248 = tpu.vector_load %arg9[%get3A_247] {strides = array<i32>} : memref<1024xf32, #tpu.memory_space<vmem>>, vector<16xf32>,
    %add3A_249 = arith.addf %add3A_246, %get3A_248 : vector<16xf32>
    %get3A_250 = arith.constant 320 : index
    %get3A_251 = tpu.vector_load %arg9[%get3A_250] {strides = array<i32>} : memref<1024xf32, #tpu.memory_space<vmem>>, vector<16xf32>,
    %add3A_252 = arith.addf %add3A_249, %get3A_251 : vector<16xf32>
    %get3A_253 = arith.constant 384 : index
    %get3A_254 = tpu.vector_load %arg9[%get3A_253] {strides = array<i32>} : memref<1024xf32, #tpu.memory_space<vmem>>, vector<16xf32>,
    %add3A_255 = arith.addf %add3A_252, %get3A_254 : vector<16xf32>
    %get3A_256 = arith.constant 448 : index
    %get3A_257 = tpu.vector_load %arg9[%get3A_256] {strides = array<i32>} : memref<1024xf32, #tpu.memory_space<vmem>>, vector<16xf32>,
    %add3A_258 = arith.addf %add3A_255, %get3A_257 : vector<16xf32>
    %get3A_259 = arith.constant 512 : index
    %get3A_260 = tpu.vector_load %arg9[%get3A_259] {strides = array<i32>} : memref<1024xf32, #tpu.memory_space<vmem>>, vector<16xf32>,
    %add3A_261 = arith.addf %add3A_258, %get3A_260 : vector<16xf32>
    %get3A_262 = arith.constant 576 : index
    %get3A_263 = tpu.vector_load %arg9[%get3A_262] {strides = array<i32>} : memref<1024xf32, #tpu.memory_space<vmem>>, vector<16xf32>,
    %add3A_264 = arith.addf %add3A_261, %get3A_263 : vector<16xf32>
    %get3A_265 = arith.constant 640 : index
    %get3A_266 = tpu.vector_load %arg9[%get3A_265] {strides = array<i32>} : memref<1024xf32, #tpu.memory_space<vmem>>, vector<16xf32>,
    %add3A_267 = arith.addf %add3A_264, %get3A_266 : vector<16xf32>
    %get3A_268 = arith.constant 704 : index
    %get3A_269 = tpu.vector_load %arg9[%get3A_268] {strides = array<i32>} : memref<1024xf32, #tpu.memory_space<vmem>>, vector<16xf32>,
    %add3A_270 = arith.addf %add3A_267, %get3A_269 : vector<16xf32>
    %get3A_271 = arith.constant 768 : index
    %get3A_272 = tpu.vector_load %arg9[%get3A_271] {strides = array<i32>} : memref<1024xf32, #tpu.memory_space<vmem>>, vector<16xf32>,
    %add3A_273 = arith.addf %add3A_270, %get3A_272 : vector<16xf32>
    %get3A_274 = arith.constant 832 : index
    %get3A_275 = tpu.vector_load %arg9[%get3A_274] {strides = array<i32>} : memref<1024xf32, #tpu.memory_space<vmem>>, vector<16xf32>,
    %add3A_276 = arith.addf %add3A_273, %get3A_275 : vector<16xf32>
    %get3A_277 = arith.constant 896 : index
    %get3A_278 = tpu.vector_load %arg9[%get3A_277] {strides = array<i32>} : memref<1024xf32, #tpu.memory_space<vmem>>, vector<16xf32>,
    %add3A_279 = arith.addf %add3A_276, %get3A_278 : vector<16xf32>
    %get3A_280 = arith.constant 960 : index
    %get3A_281 = tpu.vector_load %arg9[%get3A_280] {strides = array<i32>} : memref<1024xf32, #tpu.memory_space<vmem>>, vector<16xf32>,
    %add3A_282 = arith.addf %add3A_279, %get3A_281 : vector<16xf32>
    %swap3A_283 = arith.constant 0 : index
    %swap3A_284 = tpu.vector_load %arg10[%swap3A_283] {strides = array<i32>} : memref<64xf32, #tpu.memory_space<vmem>>, vector<16xf32>,
    tpu.vector_store %arg10[%swap3A_283], %add3A_282 {strides = array<i32>} : memref<64xf32, #tpu.memory_space<vmem>>, vector<16xf32>,
    %get3A_285 = arith.constant 16 : index
    %get3A_286 = tpu.vector_load %arg9[%get3A_285] {strides = array<i32>} : memref<1024xf32, #tpu.memory_space<vmem>>, vector<16xf32>,
    %get3A_287 = arith.constant 80 : index
    %get3A_288 = tpu.vector_load %arg9[%get3A_287] {strides = array<i32>} : memref<1024xf32, #tpu.memory_space<vmem>>, vector<16xf32>,
    %add3A_289 = arith.addf %get3A_286, %get3A_288 : vector<16xf32>
    %get3A_290 = arith.constant 144 : index
    %get3A_291 = tpu.vector_load %arg9[%get3A_290] {strides = array<i32>} : memref<1024xf32, #tpu.memory_space<vmem>>, vector<16xf32>,
    %add3A_292 = arith.addf %add3A_289, %get3A_291 : vector<16xf32>
    %get3A_293 = arith.constant 208 : index
    %get3A_294 = tpu.vector_load %arg9[%get3A_293] {strides = array<i32>} : memref<1024xf32, #tpu.memory_space<vmem>>, vector<16xf32>,
    %add3A_295 = arith.addf %add3A_292, %get3A_294 : vector<16xf32>
    %get3A_296 = arith.constant 272 : index
    %get3A_297 = tpu.vector_load %arg9[%get3A_296] {strides = array<i32>} : memref<1024xf32, #tpu.memory_space<vmem>>, vector<16xf32>,
    %add3A_298 = arith.addf %add3A_295, %get3A_297 : vector<16xf32>
    %get3A_299 = arith.constant 336 : index
    %get3A_300 = tpu.vector_load %arg9[%get3A_299] {strides = array<i32>} : memref<1024xf32, #tpu.memory_space<vmem>>, vector<16xf32>,
    %add3A_301 = arith.addf %add3A_298, %get3A_300 : vector<16xf32>
    %get3A_302 = arith.constant 400 : index
    %get3A_303 = tpu.vector_load %arg9[%get3A_302] {strides = array<i32>} : memref<1024xf32, #tpu.memory_space<vmem>>, vector<16xf32>,
    %add3A_304 = arith.addf %add3A_301, %get3A_303 : vector<16xf32>
    %get3A_305 = arith.constant 464 : index
    %get3A_306 = tpu.vector_load %arg9[%get3A_305] {strides = array<i32>} : memref<1024xf32, #tpu.memory_space<vmem>>, vector<16xf32>,
    %add3A_307 = arith.addf %add3A_304, %get3A_306 : vector<16xf32>
    %get3A_308 = arith.constant 528 : index
    %get3A_309 = tpu.vector_load %arg9[%get3A_308] {strides = array<i32>} : memref<1024xf32, #tpu.memory_space<vmem>>, vector<16xf32>,
    %add3A_310 = arith.addf %add3A_307, %get3A_309 : vector<16xf32>
    %get3A_311 = arith.constant 592 : index
    %get3A_312 = tpu.vector_load %arg9[%get3A_311] {strides = array<i32>} : memref<1024xf32, #tpu.memory_space<vmem>>, vector<16xf32>,
    %add3A_313 = arith.addf %add3A_310, %get3A_312 : vector<16xf32>
    %get3A_314 = arith.constant 656 : index
    %get3A_315 = tpu.vector_load %arg9[%get3A_314] {strides = array<i32>} : memref<1024xf32, #tpu.memory_space<vmem>>, vector<16xf32>,
    %add3A_316 = arith.addf %add3A_313, %get3A_315 : vector<16xf32>
    %get3A_317 = arith.constant 720 : index
    %get3A_318 = tpu.vector_load %arg9[%get3A_317] {strides = array<i32>} : memref<1024xf32, #tpu.memory_space<vmem>>, vector<16xf32>,
    %add3A_319 = arith.addf %add3A_316, %get3A_318 : vector<16xf32>
    %get3A_320 = arith.constant 784 : index
    %get3A_321 = tpu.vector_load %arg9[%get3A_320] {strides = array<i32>} : memref<1024xf32, #tpu.memory_space<vmem>>, vector<16xf32>,
    %add3A_322 = arith.addf %add3A_319, %get3A_321 : vector<16xf32>
    %get3A_323 = arith.constant 848 : index
    %get3A_324 = tpu.vector_load %arg9[%get3A_323] {strides = array<i32>} : memref<1024xf32, #tpu.memory_space<vmem>>, vector<16xf32>,
    %add3A_325 = arith.addf %add3A_322, %get3A_324 : vector<16xf32>
    %get3A_326 = arith.constant 912 : index
    %get3A_327 = tpu.vector_load %arg9[%get3A_326] {strides = array<i32>} : memref<1024xf32, #tpu.memory_space<vmem>>, vector<16xf32>,
    %add3A_328 = arith.addf %add3A_325, %get3A_327 : vector<16xf32>
    %get3A_329 = arith.constant 976 : index
    %get3A_330 = tpu.vector_load %arg9[%get3A_329] {strides = array<i32>} : memref<1024xf32, #tpu.memory_space<vmem>>, vector<16xf32>,
    %add3A_331 = arith.addf %add3A_328, %get3A_330 : vector<16xf32>
    %swap3A_332 = arith.constant 16 : index
    %swap3A_333 = tpu.vector_load %arg10[%swap3A_332] {strides = array<i32>} : memref<64xf32, #tpu.memory_space<vmem>>, vector<16xf32>,
    tpu.vector_store %arg10[%swap3A_332], %add3A_331 {strides = array<i32>} : memref<64xf32, #tpu.memory_space<vmem>>, vector<16xf32>,
    %get3A_334 = arith.constant 32 : index
    %get3A_335 = tpu.vector_load %arg9[%get3A_334] {strides = array<i32>} : memref<1024xf32, #tpu.memory_space<vmem>>, vector<16xf32>,
    %get3A_336 = arith.constant 96 : index
    %get3A_337 = tpu.vector_load %arg9[%get3A_336] {strides = array<i32>} : memref<1024xf32, #tpu.memory_space<vmem>>, vector<16xf32>,
    %add3A_338 = arith.addf %get3A_335, %get3A_337 : vector<16xf32>
    %get3A_339 = arith.constant 160 : index
    %get3A_340 = tpu.vector_load %arg9[%get3A_339] {strides = array<i32>} : memref<1024xf32, #tpu.memory_space<vmem>>, vector<16xf32>,
    %add3A_341 = arith.addf %add3A_338, %get3A_340 : vector<16xf32>
    %get3A_342 = arith.constant 224 : index
    %get3A_343 = tpu.vector_load %arg9[%get3A_342] {strides = array<i32>} : memref<1024xf32, #tpu.memory_space<vmem>>, vector<16xf32>,
    %add3A_344 = arith.addf %add3A_341, %get3A_343 : vector<16xf32>
    %get3A_345 = arith.constant 288 : index
    %get3A_346 = tpu.vector_load %arg9[%get3A_345] {strides = array<i32>} : memref<1024xf32, #tpu.memory_space<vmem>>, vector<16xf32>,
    %add3A_347 = arith.addf %add3A_344, %get3A_346 : vector<16xf32>
    %get3A_348 = arith.constant 352 : index
    %get3A_349 = tpu.vector_load %arg9[%get3A_348] {strides = array<i32>} : memref<1024xf32, #tpu.memory_space<vmem>>, vector<16xf32>,
    %add3A_350 = arith.addf %add3A_347, %get3A_349 : vector<16xf32>
    %get3A_351 = arith.constant 416 : index
    %get3A_352 = tpu.vector_load %arg9[%get3A_351] {strides = array<i32>} : memref<1024xf32, #tpu.memory_space<vmem>>, vector<16xf32>,
    %add3A_353 = arith.addf %add3A_350, %get3A_352 : vector<16xf32>
    %get3A_354 = arith.constant 480 : index
    %get3A_355 = tpu.vector_load %arg9[%get3A_354] {strides = array<i32>} : memref<1024xf32, #tpu.memory_space<vmem>>, vector<16xf32>,
    %add3A_356 = arith.addf %add3A_353, %get3A_355 : vector<16xf32>
    %get3A_357 = arith.constant 544 : index
    %get3A_358 = tpu.vector_load %arg9[%get3A_357] {strides = array<i32>} : memref<1024xf32, #tpu.memory_space<vmem>>, vector<16xf32>,
    %add3A_359 = arith.addf %add3A_356, %get3A_358 : vector<16xf32>
    %get3A_360 = arith.constant 608 : index
    %get3A_361 = tpu.vector_load %arg9[%get3A_360] {strides = array<i32>} : memref<1024xf32, #tpu.memory_space<vmem>>, vector<16xf32>,
    %add3A_362 = arith.addf %add3A_359, %get3A_361 : vector<16xf32>
    %get3A_363 = arith.constant 672 : index
    %get3A_364 = tpu.vector_load %arg9[%get3A_363] {strides = array<i32>} : memref<1024xf32, #tpu.memory_space<vmem>>, vector<16xf32>,
    %add3A_365 = arith.addf %add3A_362, %get3A_364 : vector<16xf32>
    %get3A_366 = arith.constant 736 : index
    %get3A_367 = tpu.vector_load %arg9[%get3A_366] {strides = array<i32>} : memref<1024xf32, #tpu.memory_space<vmem>>, vector<16xf32>,
    %add3A_368 = arith.addf %add3A_365, %get3A_367 : vector<16xf32>
    %get3A_369 = arith.constant 800 : index
    %get3A_370 = tpu.vector_load %arg9[%get3A_369] {strides = array<i32>} : memref<1024xf32, #tpu.memory_space<vmem>>, vector<16xf32>,
    %add3A_371 = arith.addf %add3A_368, %get3A_370 : vector<16xf32>
    %get3A_372 = arith.constant 864 : index
    %get3A_373 = tpu.vector_load %arg9[%get3A_372] {strides = array<i32>} : memref<1024xf32, #tpu.memory_space<vmem>>, vector<16xf32>,
    %add3A_374 = arith.addf %add3A_371, %get3A_373 : vector<16xf32>
    %get3A_375 = arith.constant 928 : index
    %get3A_376 = tpu.vector_load %arg9[%get3A_375] {strides = array<i32>} : memref<1024xf32, #tpu.memory_space<vmem>>, vector<16xf32>,
    %add3A_377 = arith.addf %add3A_374, %get3A_376 : vector<16xf32>
    %get3A_378 = arith.constant 992 : index
    %get3A_379 = tpu.vector_load %arg9[%get3A_378] {strides = array<i32>} : memref<1024xf32, #tpu.memory_space<vmem>>, vector<16xf32>,
    %add3A_380 = arith.addf %add3A_377, %get3A_379 : vector<16xf32>
    %swap3A_381 = arith.constant 32 : index
    %swap3A_382 = tpu.vector_load %arg10[%swap3A_381] {strides = array<i32>} : memref<64xf32, #tpu.memory_space<vmem>>, vector<16xf32>,
    tpu.vector_store %arg10[%swap3A_381], %add3A_380 {strides = array<i32>} : memref<64xf32, #tpu.memory_space<vmem>>, vector<16xf32>,
    %get3A_383 = arith.constant 48 : index
    %get3A_384 = tpu.vector_load %arg9[%get3A_383] {strides = array<i32>} : memref<1024xf32, #tpu.memory_space<vmem>>, vector<16xf32>,
    %get3A_385 = arith.constant 112 : index
    %get3A_386 = tpu.vector_load %arg9[%get3A_385] {strides = array<i32>} : memref<1024xf32, #tpu.memory_space<vmem>>, vector<16xf32>,
    %add3A_387 = arith.addf %get3A_384, %get3A_386 : vector<16xf32>
    %get3A_388 = arith.constant 176 : index
    %get3A_389 = tpu.vector_load %arg9[%get3A_388] {strides = array<i32>} : memref<1024xf32, #tpu.memory_space<vmem>>, vector<16xf32>,
    %add3A_390 = arith.addf %add3A_387, %get3A_389 : vector<16xf32>
    %get3A_391 = arith.constant 240 : index
    %get3A_392 = tpu.vector_load %arg9[%get3A_391] {strides = array<i32>} : memref<1024xf32, #tpu.memory_space<vmem>>, vector<16xf32>,
    %add3A_393 = arith.addf %add3A_390, %get3A_392 : vector<16xf32>
    %get3A_394 = arith.constant 304 : index
    %get3A_395 = tpu.vector_load %arg9[%get3A_394] {strides = array<i32>} : memref<1024xf32, #tpu.memory_space<vmem>>, vector<16xf32>,
    %add3A_396 = arith.addf %add3A_393, %get3A_395 : vector<16xf32>
    %get3A_397 = arith.constant 368 : index
    %get3A_398 = tpu.vector_load %arg9[%get3A_397] {strides = array<i32>} : memref<1024xf32, #tpu.memory_space<vmem>>, vector<16xf32>,
    %add3A_399 = arith.addf %add3A_396, %get3A_398 : vector<16xf32>
    %get3A_400 = arith.constant 432 : index
    %get3A_401 = tpu.vector_load %arg9[%get3A_400] {strides = array<i32>} : memref<1024xf32, #tpu.memory_space<vmem>>, vector<16xf32>,
    %add3A_402 = arith.addf %add3A_399, %get3A_401 : vector<16xf32>
    %get3A_403 = arith.constant 496 : index
    %get3A_404 = tpu.vector_load %arg9[%get3A_403] {strides = array<i32>} : memref<1024xf32, #tpu.memory_space<vmem>>, vector<16xf32>,
    %add3A_405 = arith.addf %add3A_402, %get3A_404 : vector<16xf32>
    %get3A_406 = arith.constant 560 : index
    %get3A_407 = tpu.vector_load %arg9[%get3A_406] {strides = array<i32>} : memref<1024xf32, #tpu.memory_space<vmem>>, vector<16xf32>,
    %add3A_408 = arith.addf %add3A_405, %get3A_407 : vector<16xf32>
    %get3A_409 = arith.constant 624 : index
    %get3A_410 = tpu.vector_load %arg9[%get3A_409] {strides = array<i32>} : memref<1024xf32, #tpu.memory_space<vmem>>, vector<16xf32>,
    %add3A_411 = arith.addf %add3A_408, %get3A_410 : vector<16xf32>
    %get3A_412 = arith.constant 688 : index
    %get3A_413 = tpu.vector_load %arg9[%get3A_412] {strides = array<i32>} : memref<1024xf32, #tpu.memory_space<vmem>>, vector<16xf32>,
    %add3A_414 = arith.addf %add3A_411, %get3A_413 : vector<16xf32>
    %get3A_415 = arith.constant 752 : index
    %get3A_416 = tpu.vector_load %arg9[%get3A_415] {strides = array<i32>} : memref<1024xf32, #tpu.memory_space<vmem>>, vector<16xf32>,
    %add3A_417 = arith.addf %add3A_414, %get3A_416 : vector<16xf32>
    %get3A_418 = arith.constant 816 : index
    %get3A_419 = tpu.vector_load %arg9[%get3A_418] {strides = array<i32>} : memref<1024xf32, #tpu.memory_space<vmem>>, vector<16xf32>,
    %add3A_420 = arith.addf %add3A_417, %get3A_419 : vector<16xf32>
    %get3A_421 = arith.constant 880 : index
    %get3A_422 = tpu.vector_load %arg9[%get3A_421] {strides = array<i32>} : memref<1024xf32, #tpu.memory_space<vmem>>, vector<16xf32>,
    %add3A_423 = arith.addf %add3A_420, %get3A_422 : vector<16xf32>
    %get3A_424 = arith.constant 944 : index
    %get3A_425 = tpu.vector_load %arg9[%get3A_424] {strides = array<i32>} : memref<1024xf32, #tpu.memory_space<vmem>>, vector<16xf32>,
    %add3A_426 = arith.addf %add3A_423, %get3A_425 : vector<16xf32>
    %get3A_427 = arith.constant 1008 : index
    %get3A_428 = tpu.vector_load %arg9[%get3A_427] {strides = array<i32>} : memref<1024xf32, #tpu.memory_space<vmem>>, vector<16xf32>,
    %add3A_429 = arith.addf %add3A_426, %get3A_428 : vector<16xf32>
    %swap3A_430 = arith.constant 48 : index
    %swap3A_431 = tpu.vector_load %arg10[%swap3A_430] {strides = array<i32>} : memref<64xf32, #tpu.memory_space<vmem>>, vector<16xf32>,
    tpu.vector_store %arg10[%swap3A_430], %add3A_429 {strides = array<i32>} : memref<64xf32, #tpu.memory_space<vmem>>, vector<16xf32>,
    %jit3A_432 = arith.constant 4 : i32
    %div3A_433 = arith.divsi %arg1, %jit3A_432 : i32
    %sign3A_434 = arith.constant 0 : i32
    %sign3A_435 = arith.cmpi sgt, %arg1, %sign3A_434 : i32
    %sign3A_436 = arith.extui %sign3A_435 : i1 to i32
    %sign3A_437 = arith.constant 0 : i32
    %sign3A_438 = arith.cmpi slt, %arg1, %sign3A_437 : i32
    %sign3A_439 = arith.extui %sign3A_438 : i1 to i32
    %sign3A_440 = arith.subi %sign3A_436, %sign3A_439 : i32
    %sign3A_441 = arith.constant 0 : i32
    %sign3A_442 = arith.cmpi sgt, %jit3A_432, %sign3A_441 : i32
    %sign3A_443 = arith.extui %sign3A_442 : i1 to i32
    %sign3A_444 = arith.constant 0 : i32
    %sign3A_445 = arith.cmpi slt, %jit3A_432, %sign3A_444 : i32
    %sign3A_446 = arith.extui %sign3A_445 : i1 to i32
    %sign3A_447 = arith.subi %sign3A_443, %sign3A_446 : i32
    %ne3A_448 = arith.cmpi ne, %sign3A_440, %sign3A_447 : i32
    %rem3A_449 = arith.remsi %arg1, %jit3A_432 : i32
    %ne3A_450 = arith.constant 0 : i32
    %ne3A_451 = arith.cmpi ne, %rem3A_449, %ne3A_450 : i32
    %and3A_452 = arith.andi %ne3A_448, %ne3A_451 : i1
    %sub3A_453 = arith.constant 1 : i32
    %sub3A_454 = arith.subi %div3A_433, %sub3A_453 : i32
    %select_n3A_455 = arith.select %and3A_452, %sub3A_454, %div3A_433 : i32
    %mul3A_456 = arith.constant 4032 : i32
    %mul3A_457 = arith.muli %select_n3A_455, %mul3A_456 : i32
    %add3A_458 = arith.addi %mul3A_457, %mul3A_32 : i32
    %dma_start3A_459 = tpu.memref_slice %arg14[%add3A_458] : memref<16128xf32, #tpu.memory_space<vmem_shared>> -> memref<1008xf32, #tpu.memory_space<vmem_shared>>
    %dma_start3A_460 = tpu.memref_slice %arg14[%add3A_458] : memref<16128xf32, #tpu.memory_space<vmem_shared>> -> memref<1008xf32, #tpu.memory_space<vmem_shared>>
    tpu.enqueue_dma source(%arg8 : memref<1008xf32, #tpu.memory_space<vmem>>) target(%dma_start3A_460 : memref<1008xf32, #tpu.memory_space<vmem_shared>>) target_semaphore(%arg15 : memref<!tpu.dma_semaphore, #tpu.memory_space<semaphore_mem>>)
    %mul3A_461 = arith.constant 64 : i32
    %mul3A_462 = arith.muli %arg1, %mul3A_461 : i32
    "tpu.region"() ({
      %run_scoped3A = tpu.sem_alloc : memref<!tpu.dma_semaphore, #tpu.memory_space<semaphore_mem>>
      %dma_start3A_468 = tpu.memref_slice %arg13[%mul3A_462] : memref<1024xf32, #tpu.memory_space<vmem_shared>> -> memref<64xf32, #tpu.memory_space<vmem_shared>>
      %dma_start3A_469 = tpu.memref_slice %arg13[%mul3A_462] : memref<1024xf32, #tpu.memory_space<vmem_shared>> -> memref<64xf32, #tpu.memory_space<vmem_shared>>
      tpu.enqueue_dma source(%arg10 : memref<64xf32, #tpu.memory_space<vmem>>) target(%dma_start3A_469 : memref<64xf32, #tpu.memory_space<vmem_shared>>) target_semaphore(%run_scoped3A : memref<!tpu.dma_semaphore, #tpu.memory_space<semaphore_mem>>)
      %dma_wait3A_470 = tpu.memref_slice %arg13[%mul3A_462] : memref<1024xf32, #tpu.memory_space<vmem_shared>> -> memref<64xf32, #tpu.memory_space<vmem_shared>>
      %dma_wait3A_471 = tpu.memref_slice %arg13[%mul3A_462] : memref<1024xf32, #tpu.memory_space<vmem_shared>> -> memref<64xf32, #tpu.memory_space<vmem_shared>>
      tpu.wait_dma2 semaphore(%run_scoped3A : memref<!tpu.dma_semaphore, #tpu.memory_space<semaphore_mem>>) src(%arg10 : memref<64xf32, #tpu.memory_space<vmem>>) dst(%dma_wait3A_471 : memref<64xf32, #tpu.memory_space<vmem_shared>>)
      tpu.yield
    }) : () -> ()
    %dma_wait3A_463 = tpu.memref_slice %arg14[%add3A_458] : memref<16128xf32, #tpu.memory_space<vmem_shared>> -> memref<1008xf32, #tpu.memory_space<vmem_shared>>
    %dma_wait3A_464 = tpu.memref_slice %arg14[%add3A_458] : memref<16128xf32, #tpu.memory_space<vmem_shared>> -> memref<1008xf32, #tpu.memory_space<vmem_shared>>
    tpu.wait_dma2 semaphore(%arg15 : memref<!tpu.dma_semaphore, #tpu.memory_space<semaphore_mem>>) src(%arg8 : memref<1008xf32, #tpu.memory_space<vmem>>) dst(%dma_wait3A_464 : memref<1008xf32, #tpu.memory_space<vmem_shared>>)
    %barrier3A = arith.constant 0 : index
    tpu.barrier barrier_id(%barrier3A)
    %eq3A_465 = arith.constant 0 : i32
    %eq3A_466 = arith.cmpi eq, %select_n3A_30, %eq3A_465 : i32
    %convert_element_type3A = arith.extui %eq3A_466 : i1 to i32
    %cond3A = arith.constant 0 : i32
    %cond3A_467 = arith.cmpi ne, %convert_element_type3A, %cond3A : i32
    scf.if %cond3A_467 {
      %mul3A_468 = arith.constant 64 : i32
      %mul3A_469 = arith.muli %arg1, %mul3A_468 : i32
      "tpu.region"() ({
        %run_scoped3A = tpu.sem_alloc : memref<!tpu.dma_semaphore, #tpu.memory_space<semaphore_mem>>
        %dma_start3A_556 = tpu.memref_slice %arg13[%mul3A_469] : memref<1024xf32, #tpu.memory_space<vmem_shared>> -> memref<256xf32, #tpu.memory_space<vmem_shared>>
        %dma_start3A_557 = tpu.memref_slice %arg13[%mul3A_469] : memref<1024xf32, #tpu.memory_space<vmem_shared>> -> memref<256xf32, #tpu.memory_space<vmem_shared>>
        tpu.enqueue_dma source(%dma_start3A_557 : memref<256xf32, #tpu.memory_space<vmem_shared>>) target(%arg11 : memref<256xf32, #tpu.memory_space<vmem>>) target_semaphore(%run_scoped3A : memref<!tpu.dma_semaphore, #tpu.memory_space<semaphore_mem>>)
        %dma_wait3A_558 = tpu.memref_slice %arg13[%mul3A_469] : memref<1024xf32, #tpu.memory_space<vmem_shared>> -> memref<256xf32, #tpu.memory_space<vmem_shared>>
        %dma_wait3A_559 = tpu.memref_slice %arg13[%mul3A_469] : memref<1024xf32, #tpu.memory_space<vmem_shared>> -> memref<256xf32, #tpu.memory_space<vmem_shared>>
        tpu.wait_dma2 semaphore(%run_scoped3A : memref<!tpu.dma_semaphore, #tpu.memory_space<semaphore_mem>>) src(%dma_wait3A_559 : memref<256xf32, #tpu.memory_space<vmem_shared>>) dst(%arg11 : memref<256xf32, #tpu.memory_space<vmem>>)
        tpu.yield
      }) : () -> ()
      %get3A_470 = arith.constant 64 : i32
      %get3A_471 = arith.index_cast %get3A_470 : i32 to index
      %get3A_472 = arith.constant 0 : index
      %get3A_473 = tpu.vector_load %arg6[%get3A_471, %get3A_472] {strides = array<i32>} : memref<72x128xf32, #tpu.memory_space<vmem>>, vector<16xf32>,
      %get3A_474 = arith.constant 0 : index
      %get3A_475 = tpu.vector_load %arg11[%get3A_474] {strides = array<i32>} : memref<256xf32, #tpu.memory_space<vmem>>, vector<16xf32>,
      %add3A_476 = arith.addf %get3A_473, %get3A_475 : vector<16xf32>
      %get3A_477 = arith.constant 64 : index
      %get3A_478 = tpu.vector_load %arg11[%get3A_477] {strides = array<i32>} : memref<256xf32, #tpu.memory_space<vmem>>, vector<16xf32>,
      %add3A_479 = arith.addf %add3A_476, %get3A_478 : vector<16xf32>
      %get3A_480 = arith.constant 128 : index
      %get3A_481 = tpu.vector_load %arg11[%get3A_480] {strides = array<i32>} : memref<256xf32, #tpu.memory_space<vmem>>, vector<16xf32>,
      %add3A_482 = arith.addf %add3A_479, %get3A_481 : vector<16xf32>
      %get3A_483 = arith.constant 192 : index
      %get3A_484 = tpu.vector_load %arg11[%get3A_483] {strides = array<i32>} : memref<256xf32, #tpu.memory_space<vmem>>, vector<16xf32>,
      %add3A_485 = arith.addf %add3A_482, %get3A_484 : vector<16xf32>
      %swap3A_486 = arith.constant 0 : index
      %swap3A_487 = tpu.vector_load %arg10[%swap3A_486] {strides = array<i32>} : memref<64xf32, #tpu.memory_space<vmem>>, vector<16xf32>,
      tpu.vector_store %arg10[%swap3A_486], %add3A_485 {strides = array<i32>} : memref<64xf32, #tpu.memory_space<vmem>>, vector<16xf32>,
      %get3A_488 = arith.constant 16 : index
      %get3A_489 = tpu.vector_load %arg11[%get3A_488] {strides = array<i32>} : memref<256xf32, #tpu.memory_space<vmem>>, vector<16xf32>,
      %add3A_490 = arith.addf %get3A_473, %get3A_489 : vector<16xf32>
      %get3A_491 = arith.constant 80 : index
      %get3A_492 = tpu.vector_load %arg11[%get3A_491] {strides = array<i32>} : memref<256xf32, #tpu.memory_space<vmem>>, vector<16xf32>,
      %add3A_493 = arith.addf %add3A_490, %get3A_492 : vector<16xf32>
      %get3A_494 = arith.constant 144 : index
      %get3A_495 = tpu.vector_load %arg11[%get3A_494] {strides = array<i32>} : memref<256xf32, #tpu.memory_space<vmem>>, vector<16xf32>,
      %add3A_496 = arith.addf %add3A_493, %get3A_495 : vector<16xf32>
      %get3A_497 = arith.constant 208 : index
      %get3A_498 = tpu.vector_load %arg11[%get3A_497] {strides = array<i32>} : memref<256xf32, #tpu.memory_space<vmem>>, vector<16xf32>,
      %add3A_499 = arith.addf %add3A_496, %get3A_498 : vector<16xf32>
      %swap3A_500 = arith.constant 16 : index
      %swap3A_501 = tpu.vector_load %arg10[%swap3A_500] {strides = array<i32>} : memref<64xf32, #tpu.memory_space<vmem>>, vector<16xf32>,
      tpu.vector_store %arg10[%swap3A_500], %add3A_499 {strides = array<i32>} : memref<64xf32, #tpu.memory_space<vmem>>, vector<16xf32>,
      %get3A_502 = arith.constant 32 : index
      %get3A_503 = tpu.vector_load %arg11[%get3A_502] {strides = array<i32>} : memref<256xf32, #tpu.memory_space<vmem>>, vector<16xf32>,
      %add3A_504 = arith.addf %get3A_473, %get3A_503 : vector<16xf32>
      %get3A_505 = arith.constant 96 : index
      %get3A_506 = tpu.vector_load %arg11[%get3A_505] {strides = array<i32>} : memref<256xf32, #tpu.memory_space<vmem>>, vector<16xf32>,
      %add3A_507 = arith.addf %add3A_504, %get3A_506 : vector<16xf32>
      %get3A_508 = arith.constant 160 : index
      %get3A_509 = tpu.vector_load %arg11[%get3A_508] {strides = array<i32>} : memref<256xf32, #tpu.memory_space<vmem>>, vector<16xf32>,
      %add3A_510 = arith.addf %add3A_507, %get3A_509 : vector<16xf32>
      %get3A_511 = arith.constant 224 : index
      %get3A_512 = tpu.vector_load %arg11[%get3A_511] {strides = array<i32>} : memref<256xf32, #tpu.memory_space<vmem>>, vector<16xf32>,
      %add3A_513 = arith.addf %add3A_510, %get3A_512 : vector<16xf32>
      %swap3A_514 = arith.constant 32 : index
      %swap3A_515 = tpu.vector_load %arg10[%swap3A_514] {strides = array<i32>} : memref<64xf32, #tpu.memory_space<vmem>>, vector<16xf32>,
      tpu.vector_store %arg10[%swap3A_514], %add3A_513 {strides = array<i32>} : memref<64xf32, #tpu.memory_space<vmem>>, vector<16xf32>,
      %get3A_516 = arith.constant 48 : index
      %get3A_517 = tpu.vector_load %arg11[%get3A_516] {strides = array<i32>} : memref<256xf32, #tpu.memory_space<vmem>>, vector<16xf32>,
      %add3A_518 = arith.addf %get3A_473, %get3A_517 : vector<16xf32>
      %get3A_519 = arith.constant 112 : index
      %get3A_520 = tpu.vector_load %arg11[%get3A_519] {strides = array<i32>} : memref<256xf32, #tpu.memory_space<vmem>>, vector<16xf32>,
      %add3A_521 = arith.addf %add3A_518, %get3A_520 : vector<16xf32>
      %get3A_522 = arith.constant 176 : index
      %get3A_523 = tpu.vector_load %arg11[%get3A_522] {strides = array<i32>} : memref<256xf32, #tpu.memory_space<vmem>>, vector<16xf32>,
      %add3A_524 = arith.addf %add3A_521, %get3A_523 : vector<16xf32>
      %get3A_525 = arith.constant 240 : index
      %get3A_526 = tpu.vector_load %arg11[%get3A_525] {strides = array<i32>} : memref<256xf32, #tpu.memory_space<vmem>>, vector<16xf32>,
      %add3A_527 = arith.addf %add3A_524, %get3A_526 : vector<16xf32>
      %swap3A_528 = arith.constant 48 : index
      %swap3A_529 = tpu.vector_load %arg10[%swap3A_528] {strides = array<i32>} : memref<64xf32, #tpu.memory_space<vmem>>, vector<16xf32>,
      tpu.vector_store %arg10[%swap3A_528], %add3A_527 {strides = array<i32>} : memref<64xf32, #tpu.memory_space<vmem>>, vector<16xf32>,
      "tpu.region"() ({
        %run_scoped3A = tpu.sem_alloc : memref<!tpu.dma_semaphore, #tpu.memory_space<semaphore_mem>>
        %dma_start3A_556 = arith.constant 0 : i32
        %dma_start3A_557 = tpu.memref_slice %arg4[%add3A, %dma_start3A_556] : memref<8x64xf32, #tpu.memory_space<hbm>> -> memref<1x64xf32, #tpu.memory_space<hbm>>
        %dma_start3A_558 = tpu.memref_squeeze %dma_start3A_557 : memref<1x64xf32, #tpu.memory_space<hbm>> -> memref<64xf32, #tpu.memory_space<hbm>>
        %dma_start3A_559 = arith.constant 0 : i32
        %dma_start3A_560 = tpu.memref_slice %arg4[%add3A, %dma_start3A_559] : memref<8x64xf32, #tpu.memory_space<hbm>> -> memref<1x64xf32, #tpu.memory_space<hbm>>
        %dma_start3A_561 = tpu.memref_squeeze %dma_start3A_560 : memref<1x64xf32, #tpu.memory_space<hbm>> -> memref<64xf32, #tpu.memory_space<hbm>>
        tpu.enqueue_dma source(%arg10 : memref<64xf32, #tpu.memory_space<vmem>>) target(%dma_start3A_561 : memref<64xf32, #tpu.memory_space<hbm>>) target_semaphore(%run_scoped3A : memref<!tpu.dma_semaphore, #tpu.memory_space<semaphore_mem>>)
        %dma_wait3A_562 = arith.constant 0 : i32
        %dma_wait3A_563 = tpu.memref_slice %arg4[%add3A, %dma_wait3A_562] : memref<8x64xf32, #tpu.memory_space<hbm>> -> memref<1x64xf32, #tpu.memory_space<hbm>>
        %dma_wait3A_564 = tpu.memref_squeeze %dma_wait3A_563 : memref<1x64xf32, #tpu.memory_space<hbm>> -> memref<64xf32, #tpu.memory_space<hbm>>
        %dma_wait3A_565 = arith.constant 0 : i32
        %dma_wait3A_566 = tpu.memref_slice %arg4[%add3A, %dma_wait3A_565] : memref<8x64xf32, #tpu.memory_space<hbm>> -> memref<1x64xf32, #tpu.memory_space<hbm>>
        %dma_wait3A_567 = tpu.memref_squeeze %dma_wait3A_566 : memref<1x64xf32, #tpu.memory_space<hbm>> -> memref<64xf32, #tpu.memory_space<hbm>>
        tpu.wait_dma2 semaphore(%run_scoped3A : memref<!tpu.dma_semaphore, #tpu.memory_space<semaphore_mem>>) src(%arg10 : memref<64xf32, #tpu.memory_space<vmem>>) dst(%dma_wait3A_567 : memref<64xf32, #tpu.memory_space<hbm>>)
        tpu.yield
      }) : () -> ()
      %jit3A_530 = arith.constant 4 : i32
      %div3A_531 = arith.divsi %arg1, %jit3A_530 : i32
      %sign3A_532 = arith.constant 0 : i32
      %sign3A_533 = arith.cmpi sgt, %arg1, %sign3A_532 : i32
      %sign3A_534 = arith.extui %sign3A_533 : i1 to i32
      %sign3A_535 = arith.constant 0 : i32
      %sign3A_536 = arith.cmpi slt, %arg1, %sign3A_535 : i32
      %sign3A_537 = arith.extui %sign3A_536 : i1 to i32
      %sign3A_538 = arith.subi %sign3A_534, %sign3A_537 : i32
      %sign3A_539 = arith.constant 0 : i32
      %sign3A_540 = arith.cmpi sgt, %jit3A_530, %sign3A_539 : i32
      %sign3A_541 = arith.extui %sign3A_540 : i1 to i32
      %sign3A_542 = arith.constant 0 : i32
      %sign3A_543 = arith.cmpi slt, %jit3A_530, %sign3A_542 : i32
      %sign3A_544 = arith.extui %sign3A_543 : i1 to i32
      %sign3A_545 = arith.subi %sign3A_541, %sign3A_544 : i32
      %ne3A_546 = arith.cmpi ne, %sign3A_538, %sign3A_545 : i32
      %rem3A_547 = arith.remsi %arg1, %jit3A_530 : i32
      %ne3A_548 = arith.constant 0 : i32
      %ne3A_549 = arith.cmpi ne, %rem3A_547, %ne3A_548 : i32
      %and3A_550 = arith.andi %ne3A_546, %ne3A_549 : i1
      %sub3A_551 = arith.constant 1 : i32
      %sub3A_552 = arith.subi %div3A_531, %sub3A_551 : i32
      %select_n3A_553 = arith.select %and3A_550, %sub3A_552, %div3A_531 : i32
      %mul3A_554 = arith.constant 4032 : i32
      %mul3A_555 = arith.muli %select_n3A_553, %mul3A_554 : i32
      "tpu.region"() ({
        %run_scoped3A = tpu.sem_alloc : memref<!tpu.dma_semaphore, #tpu.memory_space<semaphore_mem>>
        %dma_start3A_556 = tpu.memref_slice %arg14[%mul3A_555] : memref<16128xf32, #tpu.memory_space<vmem_shared>> -> memref<4032xf32, #tpu.memory_space<vmem_shared>>
        %dma_start3A_557 = tpu.memref_slice %arg14[%mul3A_555] : memref<16128xf32, #tpu.memory_space<vmem_shared>> -> memref<4032xf32, #tpu.memory_space<vmem_shared>>
        tpu.enqueue_dma source(%dma_start3A_557 : memref<4032xf32, #tpu.memory_space<vmem_shared>>) target(%arg12 : memref<4032xf32, #tpu.memory_space<vmem>>) target_semaphore(%run_scoped3A : memref<!tpu.dma_semaphore, #tpu.memory_space<semaphore_mem>>)
        %dma_wait3A_558 = tpu.memref_slice %arg14[%mul3A_555] : memref<16128xf32, #tpu.memory_space<vmem_shared>> -> memref<4032xf32, #tpu.memory_space<vmem_shared>>
        %dma_wait3A_559 = tpu.memref_slice %arg14[%mul3A_555] : memref<16128xf32, #tpu.memory_space<vmem_shared>> -> memref<4032xf32, #tpu.memory_space<vmem_shared>>
        tpu.wait_dma2 semaphore(%run_scoped3A : memref<!tpu.dma_semaphore, #tpu.memory_space<semaphore_mem>>) src(%dma_wait3A_559 : memref<4032xf32, #tpu.memory_space<vmem_shared>>) dst(%arg12 : memref<4032xf32, #tpu.memory_space<vmem>>)
        tpu.yield
      }) : () -> ()
      "tpu.region"() ({
        %run_scoped3A = tpu.sem_alloc : memref<!tpu.dma_semaphore, #tpu.memory_space<semaphore_mem>>
        %dma_start3A_556 = arith.constant 0 : i32
        %dma_start3A_557 = tpu.memref_slice %arg5[%add3A, %dma_start3A_556] : memref<8x4032xf32, #tpu.memory_space<hbm>> -> memref<1x4032xf32, #tpu.memory_space<hbm>>
        %dma_start3A_558 = tpu.memref_squeeze %dma_start3A_557 : memref<1x4032xf32, #tpu.memory_space<hbm>> -> memref<4032xf32, #tpu.memory_space<hbm>>
        %dma_start3A_559 = arith.constant 0 : i32
        %dma_start3A_560 = tpu.memref_slice %arg5[%add3A, %dma_start3A_559] : memref<8x4032xf32, #tpu.memory_space<hbm>> -> memref<1x4032xf32, #tpu.memory_space<hbm>>
        %dma_start3A_561 = tpu.memref_squeeze %dma_start3A_560 : memref<1x4032xf32, #tpu.memory_space<hbm>> -> memref<4032xf32, #tpu.memory_space<hbm>>
        tpu.enqueue_dma source(%arg12 : memref<4032xf32, #tpu.memory_space<vmem>>) target(%dma_start3A_561 : memref<4032xf32, #tpu.memory_space<hbm>>) target_semaphore(%run_scoped3A : memref<!tpu.dma_semaphore, #tpu.memory_space<semaphore_mem>>)
        %dma_wait3A_562 = arith.constant 0 : i32
        %dma_wait3A_563 = tpu.memref_slice %arg5[%add3A, %dma_wait3A_562] : memref<8x4032xf32, #tpu.memory_space<hbm>> -> memref<1x4032xf32, #tpu.memory_space<hbm>>
        %dma_wait3A_564 = tpu.memref_squeeze %dma_wait3A_563 : memref<1x4032xf32, #tpu.memory_space<hbm>> -> memref<4032xf32, #tpu.memory_space<hbm>>
        %dma_wait3A_565 = arith.constant 0 : i32
        %dma_wait3A_566 = tpu.memref_slice %arg5[%add3A, %dma_wait3A_565] : memref<8x4032xf32, #tpu.memory_space<hbm>> -> memref<1x4032xf32, #tpu.memory_space<hbm>>
        %dma_wait3A_567 = tpu.memref_squeeze %dma_wait3A_566 : memref<1x4032xf32, #tpu.memory_space<hbm>> -> memref<4032xf32, #tpu.memory_space<hbm>>
        tpu.wait_dma2 semaphore(%run_scoped3A : memref<!tpu.dma_semaphore, #tpu.memory_space<semaphore_mem>>) src(%arg12 : memref<4032xf32, #tpu.memory_space<vmem>>) dst(%dma_wait3A_567 : memref<4032xf32, #tpu.memory_space<hbm>>)
        tpu.yield
      }) : () -> ()
    } else {
    }
    return
  }
}

module attributes {stable_mosaic.version = 14 : i64} {
  func.func @_tc_body(%arg0: i32, %arg1: memref<8x8x32x64xf32, #tpu.memory_space<any>>, %arg2: memref<32x64xf32, #tpu.memory_space<vmem>>, %arg3: memref<1x64xf32, #tpu.memory_space<vmem>>, %arg4: memref<64x128xf32, #tpu.memory_space<vmem>>, %arg5: memref<1x64xf32, #tpu.memory_space<vmem>>, %arg6: memref<1x64xf32, #tpu.memory_space<vmem>>, %arg7: memref<1x1xf32, #tpu.memory_space<vmem>>, %arg8: memref<64x64xf32, #tpu.memory_space<vmem>>, %arg9: memref<1x64xf32, #tpu.memory_space<vmem>>, %arg10: memref<1x64xf32, #tpu.memory_space<vmem>>, %arg11: memref<1x1xf32, #tpu.memory_space<vmem>>, %arg12: memref<8x72x128xf32, #tpu.memory_space<vmem>>, %arg13: memref<8x32x64xf32, #tpu.memory_space<vmem>>, %arg14: memref<!tpu.dma_semaphore, #tpu.memory_space<semaphore_mem>>) attributes {dimension_semantics = [#tpu.dimension_semantics<arbitrary>], iteration_bounds = array<i64: 1>, scalar_prefetch = 0 : i64, scratch_operands = 2 : i64, tpu.core_type = #tpu.core_type<tc>, window_params = [{}, {pipeline_mode = #tpu.pipeline_mode<synchronous>, transform_indices = @transform_1, window_bounds = array<i64: 32, 64>}, {pipeline_mode = #tpu.pipeline_mode<synchronous>, transform_indices = @transform_2, window_bounds = array<i64: 1, 64>}, {pipeline_mode = #tpu.pipeline_mode<synchronous>, transform_indices = @transform_3, window_bounds = array<i64: 64, 128>}, {pipeline_mode = #tpu.pipeline_mode<synchronous>, transform_indices = @transform_4, window_bounds = array<i64: 1, 64>}, {pipeline_mode = #tpu.pipeline_mode<synchronous>, transform_indices = @transform_5, window_bounds = array<i64: 1, 64>}, {pipeline_mode = #tpu.pipeline_mode<synchronous>, transform_indices = @transform_6, window_bounds = array<i64: 1, 1>}, {pipeline_mode = #tpu.pipeline_mode<synchronous>, transform_indices = @transform_7, window_bounds = array<i64: 64, 64>}, {pipeline_mode = #tpu.pipeline_mode<synchronous>, transform_indices = @transform_8, window_bounds = array<i64: 1, 64>}, {pipeline_mode = #tpu.pipeline_mode<synchronous>, transform_indices = @transform_9, window_bounds = array<i64: 1, 64>}, {pipeline_mode = #tpu.pipeline_mode<synchronous>, transform_indices = @transform_10, window_bounds = array<i64: 1, 1>}, {pipeline_mode = #tpu.pipeline_mode<synchronous>, transform_indices = @transform_11, window_bounds = array<i64: 8, 72, 128>}]} {
    %dma_start3A = arith.constant 7 : i32
    %dma_start3A_0 = arith.constant 0 : i32
    %dma_start3A_1 = arith.constant 0 : i32
    %dma_start3A_2 = arith.constant 0 : i32
    %dma_start3A_3 = tpu.memref_slice %arg1[%dma_start3A_0, %dma_start3A, %dma_start3A_1, %dma_start3A_2] : memref<8x8x32x64xf32, #tpu.memory_space<any>> -> memref<8x1x32x64xf32, #tpu.memory_space<any>>
    %dma_start3A_4 = tpu.memref_squeeze %dma_start3A_3 : memref<8x1x32x64xf32, #tpu.memory_space<any>> -> memref<8x32x64xf32, #tpu.memory_space<any>>
    tpu.enqueue_dma source(%dma_start3A_4 : memref<8x32x64xf32, #tpu.memory_space<any>>) target(%arg13 : memref<8x32x64xf32, #tpu.memory_space<vmem>>) target_semaphore(%arg14 : memref<!tpu.dma_semaphore, #tpu.memory_space<semaphore_mem>>)
    %dma_wait3A = arith.constant 7 : i32
    %dma_wait3A_5 = arith.constant 0 : i32
    %dma_wait3A_6 = arith.constant 0 : i32
    %dma_wait3A_7 = arith.constant 0 : i32
    %dma_wait3A_8 = tpu.memref_slice %arg1[%dma_wait3A_5, %dma_wait3A, %dma_wait3A_6, %dma_wait3A_7] : memref<8x8x32x64xf32, #tpu.memory_space<any>> -> memref<8x1x32x64xf32, #tpu.memory_space<any>>
    %dma_wait3A_9 = tpu.memref_squeeze %dma_wait3A_8 : memref<8x1x32x64xf32, #tpu.memory_space<any>> -> memref<8x32x64xf32, #tpu.memory_space<any>>
    tpu.wait_dma2 semaphore(%arg14 : memref<!tpu.dma_semaphore, #tpu.memory_space<semaphore_mem>>) src(%dma_wait3A_9 : memref<8x32x64xf32, #tpu.memory_space<any>>) dst(%arg13 : memref<8x32x64xf32, #tpu.memory_space<vmem>>)
    %get3A = arith.constant 0 : index
    %get3A_10 = arith.constant 0 : index
    %get3A_11 = vector.load %arg2[%get3A, %get3A_10] : memref<32x64xf32, #tpu.memory_space<vmem>>, vector<32x64xf32>
    %get3A_12 = arith.constant 0 : index
    %get3A_13 = arith.constant 0 : index
    %get3A_14 = vector.load %arg4[%get3A_12, %get3A_13] : memref<64x128xf32, #tpu.memory_space<vmem>>, vector<64x64xf32>
    %get3A_15 = arith.constant 0 : index
    %get3A_16 = arith.constant 64 : index
    %get3A_17 = vector.load %arg4[%get3A_15, %get3A_16] : memref<64x128xf32, #tpu.memory_space<vmem>>, vector<64x64xf32>
    %get3A_18 = arith.constant 0 : index
    %get3A_19 = arith.constant 0 : index
    %get3A_20 = vector.load %arg10[%get3A_18, %get3A_19] : memref<1x64xf32, #tpu.memory_space<vmem>>, vector<1x64xf32>
    %get3A_21 = arith.constant 0 : index
    %get3A_22 = arith.constant 0 : index
    %get3A_23 = vector.load %arg8[%get3A_21, %get3A_22] : memref<64x64xf32, #tpu.memory_space<vmem>>, vector<64x64xf32>
    %dot_general3A = arith.constant dense<0.000000e+00> : vector<64x1xf32>
    %dot_general3A_24 = tpu.matmul %get3A_23, %get3A_20, %dot_general3A {dimension_numbers = #tpu.dot_dimension_numbers<[1], [1], [0], [0], [0, 0, 1, 0], [], []>, transpose_lhs_hint = false} : vector<64x64xf32>, vector<1x64xf32>, vector<64x1xf32> -> vector<64x1xf32>
    %get3A_25 = arith.constant 0 : index
    %get3A_26 = arith.constant 0 : index
    %get3A_27 = vector.load %arg9[%get3A_25, %get3A_26] : memref<1x64xf32, #tpu.memory_space<vmem>>, vector<1x64xf32>
    %dot_general3A_28 = arith.constant dense<0.000000e+00> : vector<1x1xf32>
    %dot_general3A_29 = tpu.matmul %get3A_27, %get3A_20, %dot_general3A_28 {dimension_numbers = #tpu.dot_dimension_numbers<[1], [1], [0], [0], [0, 0, 1, 0], [], []>, transpose_lhs_hint = false} : vector<1x64xf32>, vector<1x64xf32>, vector<1x1xf32> -> vector<1x1xf32>
    %get3A_30 = arith.constant 0 : index
    %get3A_31 = arith.constant 0 : index
    %get3A_32 = vector.load %arg6[%get3A_30, %get3A_31] : memref<1x64xf32, #tpu.memory_space<vmem>>, vector<1x64xf32>
    %get3A_33 = arith.constant 0 : index
    %get3A_34 = arith.constant 0 : index
    %get3A_35 = vector.load %arg7[%get3A_33, %get3A_34] : memref<1x1xf32, #tpu.memory_space<vmem>>, vector<1x1xf32>
    %get3A_36 = vector.extract %get3A_35[0, 0] : f32 from vector<1x1xf32>
    %iota3A = tpu.iota {dimensions = array<i32: 0>} : vector<64x64xi32>
    %iota3A_37 = tpu.iota {dimensions = array<i32: 1>} : vector<64x64xi32>
    %eq3A = arith.cmpi eq, %iota3A, %iota3A_37 : vector<64x64xi32>
    %get3A_38 = arith.constant 0 : index
    %get3A_39 = arith.constant 0 : index
    %get3A_40 = vector.load %arg11[%get3A_38, %get3A_39] : memref<1x1xf32, #tpu.memory_space<vmem>>, vector<1x1xf32>
    %broadcast_in_dim3A = vector.shape_cast %get3A_40 : vector<1x1xf32> to vector<1x1xf32>
    %broadcast_in_dim3A_41 = vector.broadcast %broadcast_in_dim3A : vector<1x1xf32> to vector<1x64xf32>
    %get3A_42 = arith.constant 0 : index
    %get3A_43 = arith.constant 0 : index
    %get3A_44 = arith.constant 0 : index
    %get3A_45 = vector.load %arg13[%get3A_42, %get3A_43, %get3A_44] : memref<8x32x64xf32, #tpu.memory_space<vmem>>, vector<1x32x64xf32>
    %get3A_46 = vector.shape_cast %get3A_45 : vector<1x32x64xf32> to vector<32x64xf32>
    %dot_general3A_47 = arith.constant dense<0.000000e+00> : vector<64x64xf32>
    %dot_general3A_48 = tpu.matmul %get3A_46, %get3A_11, %dot_general3A_47 {dimension_numbers = #tpu.dot_dimension_numbers<[0], [0], [1], [1], [0, 1, 1, 1], [], []>, transpose_lhs_hint = false} : vector<32x64xf32>, vector<32x64xf32>, vector<64x64xf32> -> vector<64x64xf32>
    %get3A_49 = arith.constant 0 : index
    %get3A_50 = arith.constant 0 : index
    %get3A_51 = vector.load %arg3[%get3A_49, %get3A_50] : memref<1x64xf32, #tpu.memory_space<vmem>>, vector<1x64xf32>
    %add3A = vector.broadcast %get3A_51 : vector<1x64xf32> to vector<64x64xf32>
    %add3A_52 = arith.addf %dot_general3A_48, %add3A : vector<64x64xf32>
    %dot_general3A_53 = arith.constant dense<0.000000e+00> : vector<64x64xf32>
    %dot_general3A_54 = tpu.matmul %add3A_52, %get3A_14, %dot_general3A_53 {dimension_numbers = #tpu.dot_dimension_numbers<[1], [1], [0], [0], [0, 0, 1, 0], [], []>, transpose_lhs_hint = false} : vector<64x64xf32>, vector<64x64xf32>, vector<64x64xf32> -> vector<64x64xf32>
    %get3A_55 = arith.constant 0 : index
    %get3A_56 = arith.constant 0 : index
    %get3A_57 = vector.load %arg5[%get3A_55, %get3A_56] : memref<1x64xf32, #tpu.memory_space<vmem>>, vector<1x64xf32>
    %add3A_58 = vector.broadcast %get3A_57 : vector<1x64xf32> to vector<64x64xf32>
    %add3A_59 = arith.addf %dot_general3A_54, %add3A_58 : vector<64x64xf32>
    %dot_general3A_60 = arith.constant dense<0.000000e+00> : vector<64x64xf32>
    %dot_general3A_61 = tpu.matmul %add3A_52, %get3A_17, %dot_general3A_60 {dimension_numbers = #tpu.dot_dimension_numbers<[1], [1], [0], [0], [0, 0, 1, 0], [], []>, transpose_lhs_hint = false} : vector<64x64xf32>, vector<64x64xf32>, vector<64x64xf32> -> vector<64x64xf32>
    %dot_general3A_62 = arith.constant dense<0.000000e+00> : vector<64x1xf32>
    %dot_general3A_63 = tpu.matmul %add3A_52, %dot_general3A_24, %dot_general3A_62 {dimension_numbers = #tpu.dot_dimension_numbers<[1], [0], [0], [1], [0, 0, 1, 1], [], []>, transpose_lhs_hint = false} : vector<64x64xf32>, vector<64x1xf32>, vector<64x1xf32> -> vector<64x1xf32>
    %add3A_64 = vector.broadcast %dot_general3A_29 : vector<1x1xf32> to vector<64x1xf32>
    %add3A_65 = arith.addf %dot_general3A_63, %add3A_64 : vector<64x1xf32>
    %broadcast_in_dim3A_66 = vector.shape_cast %add3A_59 : vector<64x64xf32> to vector<64x1x64xf32>
    %broadcast_in_dim3A_67 = vector.shape_cast %dot_general3A_61 : vector<64x64xf32> to vector<1x64x64xf32>
    %add3A_68 = vector.broadcast %broadcast_in_dim3A_66 : vector<64x1x64xf32> to vector<64x64x64xf32>
    %add3A_69 = vector.broadcast %broadcast_in_dim3A_67 : vector<1x64x64xf32> to vector<64x64x64xf32>
    %add3A_70 = arith.addf %add3A_68, %add3A_69 : vector<64x64x64xf32>
    %max3A = arith.constant 0.000000e+00 : f32
    %max3A_71 = vector.broadcast %max3A : f32 to vector<64x64x64xf32>
    %max3A_72 = arith.maximumf %add3A_70, %max3A_71 : vector<64x64x64xf32>
    %broadcast_in_dim3A_73 = vector.shape_cast %get3A_32 : vector<1x64xf32> to vector<1x1x64xf32>
    %mul3A = vector.broadcast %broadcast_in_dim3A_73 : vector<1x1x64xf32> to vector<64x64x64xf32>
    %mul3A_74 = arith.mulf %max3A_72, %mul3A : vector<64x64x64xf32>
    %reduce_sum3A = arith.constant dense<0.000000e+00> : vector<64x64xf32>
    %reduce_sum3A_75 = vector.multi_reduction <add>, %mul3A_74, %reduce_sum3A [2] : vector<64x64x64xf32> to vector<64x64xf32>
    %add3A_76 = vector.broadcast %get3A_36 : f32 to vector<64x64xf32>
    %add3A_77 = arith.addf %reduce_sum3A_75, %add3A_76 : vector<64x64xf32>
    %broadcast_in_dim3A_78 = vector.shape_cast %add3A_65 : vector<64x1xf32> to vector<64x1xf32>
    %broadcast_in_dim3A_79 = vector.broadcast %broadcast_in_dim3A_78 : vector<64x1xf32> to vector<64x64xf32>
    %select_n3A = arith.select %eq3A, %broadcast_in_dim3A_79, %add3A_77 : vector<64x64xi1>, vector<64x64xf32>
    %swap3A = arith.constant 0 : index
    %swap3A_80 = arith.constant 0 : index
    %swap3A_81 = arith.constant 0 : index
    %swap3A_82 = vector.load %arg12[%swap3A, %swap3A_80, %swap3A_81] : memref<8x72x128xf32, #tpu.memory_space<vmem>>, vector<1x64x64xf32>
    %swap3A_83 = vector.shape_cast %swap3A_82 : vector<1x64x64xf32> to vector<64x64xf32>
    %swap3A_84 = vector.shape_cast %select_n3A : vector<64x64xf32> to vector<1x64x64xf32>
    tpu.vector_store %arg12[%swap3A, %swap3A_80, %swap3A_81], %swap3A_84 {strides = array<i32>} : memref<8x72x128xf32, #tpu.memory_space<vmem>>, vector<1x64x64xf32>,
    %swap3A_85 = arith.constant 0 : index
    %swap3A_86 = arith.constant 64 : index
    %swap3A_87 = arith.constant 0 : index
    %swap3A_88 = vector.load %arg12[%swap3A_85, %swap3A_86, %swap3A_87] : memref<8x72x128xf32, #tpu.memory_space<vmem>>, vector<1x1x64xf32>
    %swap3A_89 = vector.shape_cast %swap3A_88 : vector<1x1x64xf32> to vector<1x64xf32>
    %swap3A_90 = vector.shape_cast %broadcast_in_dim3A_41 : vector<1x64xf32> to vector<1x1x64xf32>
    tpu.vector_store %arg12[%swap3A_85, %swap3A_86, %swap3A_87], %swap3A_90 {strides = array<i32>} : memref<8x72x128xf32, #tpu.memory_space<vmem>>, vector<1x1x64xf32>,
    %get3A_91 = arith.constant 1 : index
    %get3A_92 = arith.constant 0 : index
    %get3A_93 = arith.constant 0 : index
    %get3A_94 = vector.load %arg13[%get3A_91, %get3A_92, %get3A_93] : memref<8x32x64xf32, #tpu.memory_space<vmem>>, vector<1x32x64xf32>
    %get3A_95 = vector.shape_cast %get3A_94 : vector<1x32x64xf32> to vector<32x64xf32>
    %dot_general3A_96 = arith.constant dense<0.000000e+00> : vector<64x64xf32>
    %dot_general3A_97 = tpu.matmul %get3A_95, %get3A_11, %dot_general3A_96 {dimension_numbers = #tpu.dot_dimension_numbers<[0], [0], [1], [1], [0, 1, 1, 1], [], []>, transpose_lhs_hint = false} : vector<32x64xf32>, vector<32x64xf32>, vector<64x64xf32> -> vector<64x64xf32>
    %get3A_98 = arith.constant 0 : index
    %get3A_99 = arith.constant 0 : index
    %get3A_100 = vector.load %arg3[%get3A_98, %get3A_99] : memref<1x64xf32, #tpu.memory_space<vmem>>, vector<1x64xf32>
    %add3A_101 = vector.broadcast %get3A_100 : vector<1x64xf32> to vector<64x64xf32>
    %add3A_102 = arith.addf %dot_general3A_97, %add3A_101 : vector<64x64xf32>
    %dot_general3A_103 = arith.constant dense<0.000000e+00> : vector<64x64xf32>
    %dot_general3A_104 = tpu.matmul %add3A_102, %get3A_14, %dot_general3A_103 {dimension_numbers = #tpu.dot_dimension_numbers<[1], [1], [0], [0], [0, 0, 1, 0], [], []>, transpose_lhs_hint = false} : vector<64x64xf32>, vector<64x64xf32>, vector<64x64xf32> -> vector<64x64xf32>
    %get3A_105 = arith.constant 0 : index
    %get3A_106 = arith.constant 0 : index
    %get3A_107 = vector.load %arg5[%get3A_105, %get3A_106] : memref<1x64xf32, #tpu.memory_space<vmem>>, vector<1x64xf32>
    %add3A_108 = vector.broadcast %get3A_107 : vector<1x64xf32> to vector<64x64xf32>
    %add3A_109 = arith.addf %dot_general3A_104, %add3A_108 : vector<64x64xf32>
    %dot_general3A_110 = arith.constant dense<0.000000e+00> : vector<64x64xf32>
    %dot_general3A_111 = tpu.matmul %add3A_102, %get3A_17, %dot_general3A_110 {dimension_numbers = #tpu.dot_dimension_numbers<[1], [1], [0], [0], [0, 0, 1, 0], [], []>, transpose_lhs_hint = false} : vector<64x64xf32>, vector<64x64xf32>, vector<64x64xf32> -> vector<64x64xf32>
    %dot_general3A_112 = arith.constant dense<0.000000e+00> : vector<64x1xf32>
    %dot_general3A_113 = tpu.matmul %add3A_102, %dot_general3A_24, %dot_general3A_112 {dimension_numbers = #tpu.dot_dimension_numbers<[1], [0], [0], [1], [0, 0, 1, 1], [], []>, transpose_lhs_hint = false} : vector<64x64xf32>, vector<64x1xf32>, vector<64x1xf32> -> vector<64x1xf32>
    %add3A_114 = vector.broadcast %dot_general3A_29 : vector<1x1xf32> to vector<64x1xf32>
    %add3A_115 = arith.addf %dot_general3A_113, %add3A_114 : vector<64x1xf32>
    %broadcast_in_dim3A_116 = vector.shape_cast %add3A_109 : vector<64x64xf32> to vector<64x1x64xf32>
    %broadcast_in_dim3A_117 = vector.shape_cast %dot_general3A_111 : vector<64x64xf32> to vector<1x64x64xf32>
    %add3A_118 = vector.broadcast %broadcast_in_dim3A_116 : vector<64x1x64xf32> to vector<64x64x64xf32>
    %add3A_119 = vector.broadcast %broadcast_in_dim3A_117 : vector<1x64x64xf32> to vector<64x64x64xf32>
    %add3A_120 = arith.addf %add3A_118, %add3A_119 : vector<64x64x64xf32>
    %max3A_121 = arith.constant 0.000000e+00 : f32
    %max3A_122 = vector.broadcast %max3A_121 : f32 to vector<64x64x64xf32>
    %max3A_123 = arith.maximumf %add3A_120, %max3A_122 : vector<64x64x64xf32>
    %broadcast_in_dim3A_124 = vector.shape_cast %get3A_32 : vector<1x64xf32> to vector<1x1x64xf32>
    %mul3A_125 = vector.broadcast %broadcast_in_dim3A_124 : vector<1x1x64xf32> to vector<64x64x64xf32>
    %mul3A_126 = arith.mulf %max3A_123, %mul3A_125 : vector<64x64x64xf32>
    %reduce_sum3A_127 = arith.constant dense<0.000000e+00> : vector<64x64xf32>
    %reduce_sum3A_128 = vector.multi_reduction <add>, %mul3A_126, %reduce_sum3A_127 [2] : vector<64x64x64xf32> to vector<64x64xf32>
    %add3A_129 = vector.broadcast %get3A_36 : f32 to vector<64x64xf32>
    %add3A_130 = arith.addf %reduce_sum3A_128, %add3A_129 : vector<64x64xf32>
    %broadcast_in_dim3A_131 = vector.shape_cast %add3A_115 : vector<64x1xf32> to vector<64x1xf32>
    %broadcast_in_dim3A_132 = vector.broadcast %broadcast_in_dim3A_131 : vector<64x1xf32> to vector<64x64xf32>
    %select_n3A_133 = arith.select %eq3A, %broadcast_in_dim3A_132, %add3A_130 : vector<64x64xi1>, vector<64x64xf32>
    %swap3A_134 = arith.constant 1 : index
    %swap3A_135 = arith.constant 0 : index
    %swap3A_136 = arith.constant 0 : index
    %swap3A_137 = vector.load %arg12[%swap3A_134, %swap3A_135, %swap3A_136] : memref<8x72x128xf32, #tpu.memory_space<vmem>>, vector<1x64x64xf32>
    %swap3A_138 = vector.shape_cast %swap3A_137 : vector<1x64x64xf32> to vector<64x64xf32>
    %swap3A_139 = vector.shape_cast %select_n3A_133 : vector<64x64xf32> to vector<1x64x64xf32>
    tpu.vector_store %arg12[%swap3A_134, %swap3A_135, %swap3A_136], %swap3A_139 {strides = array<i32>} : memref<8x72x128xf32, #tpu.memory_space<vmem>>, vector<1x64x64xf32>,
    %swap3A_140 = arith.constant 1 : index
    %swap3A_141 = arith.constant 64 : index
    %swap3A_142 = arith.constant 0 : index
    %swap3A_143 = vector.load %arg12[%swap3A_140, %swap3A_141, %swap3A_142] : memref<8x72x128xf32, #tpu.memory_space<vmem>>, vector<1x1x64xf32>
    %swap3A_144 = vector.shape_cast %swap3A_143 : vector<1x1x64xf32> to vector<1x64xf32>
    %swap3A_145 = vector.shape_cast %broadcast_in_dim3A_41 : vector<1x64xf32> to vector<1x1x64xf32>
    tpu.vector_store %arg12[%swap3A_140, %swap3A_141, %swap3A_142], %swap3A_145 {strides = array<i32>} : memref<8x72x128xf32, #tpu.memory_space<vmem>>, vector<1x1x64xf32>,
    %get3A_146 = arith.constant 2 : index
    %get3A_147 = arith.constant 0 : index
    %get3A_148 = arith.constant 0 : index
    %get3A_149 = vector.load %arg13[%get3A_146, %get3A_147, %get3A_148] : memref<8x32x64xf32, #tpu.memory_space<vmem>>, vector<1x32x64xf32>
    %get3A_150 = vector.shape_cast %get3A_149 : vector<1x32x64xf32> to vector<32x64xf32>
    %dot_general3A_151 = arith.constant dense<0.000000e+00> : vector<64x64xf32>
    %dot_general3A_152 = tpu.matmul %get3A_150, %get3A_11, %dot_general3A_151 {dimension_numbers = #tpu.dot_dimension_numbers<[0], [0], [1], [1], [0, 1, 1, 1], [], []>, transpose_lhs_hint = false} : vector<32x64xf32>, vector<32x64xf32>, vector<64x64xf32> -> vector<64x64xf32>
    %get3A_153 = arith.constant 0 : index
    %get3A_154 = arith.constant 0 : index
    %get3A_155 = vector.load %arg3[%get3A_153, %get3A_154] : memref<1x64xf32, #tpu.memory_space<vmem>>, vector<1x64xf32>
    %add3A_156 = vector.broadcast %get3A_155 : vector<1x64xf32> to vector<64x64xf32>
    %add3A_157 = arith.addf %dot_general3A_152, %add3A_156 : vector<64x64xf32>
    %dot_general3A_158 = arith.constant dense<0.000000e+00> : vector<64x64xf32>
    %dot_general3A_159 = tpu.matmul %add3A_157, %get3A_14, %dot_general3A_158 {dimension_numbers = #tpu.dot_dimension_numbers<[1], [1], [0], [0], [0, 0, 1, 0], [], []>, transpose_lhs_hint = false} : vector<64x64xf32>, vector<64x64xf32>, vector<64x64xf32> -> vector<64x64xf32>
    %get3A_160 = arith.constant 0 : index
    %get3A_161 = arith.constant 0 : index
    %get3A_162 = vector.load %arg5[%get3A_160, %get3A_161] : memref<1x64xf32, #tpu.memory_space<vmem>>, vector<1x64xf32>
    %add3A_163 = vector.broadcast %get3A_162 : vector<1x64xf32> to vector<64x64xf32>
    %add3A_164 = arith.addf %dot_general3A_159, %add3A_163 : vector<64x64xf32>
    %dot_general3A_165 = arith.constant dense<0.000000e+00> : vector<64x64xf32>
    %dot_general3A_166 = tpu.matmul %add3A_157, %get3A_17, %dot_general3A_165 {dimension_numbers = #tpu.dot_dimension_numbers<[1], [1], [0], [0], [0, 0, 1, 0], [], []>, transpose_lhs_hint = false} : vector<64x64xf32>, vector<64x64xf32>, vector<64x64xf32> -> vector<64x64xf32>
    %dot_general3A_167 = arith.constant dense<0.000000e+00> : vector<64x1xf32>
    %dot_general3A_168 = tpu.matmul %add3A_157, %dot_general3A_24, %dot_general3A_167 {dimension_numbers = #tpu.dot_dimension_numbers<[1], [0], [0], [1], [0, 0, 1, 1], [], []>, transpose_lhs_hint = false} : vector<64x64xf32>, vector<64x1xf32>, vector<64x1xf32> -> vector<64x1xf32>
    %add3A_169 = vector.broadcast %dot_general3A_29 : vector<1x1xf32> to vector<64x1xf32>
    %add3A_170 = arith.addf %dot_general3A_168, %add3A_169 : vector<64x1xf32>
    %broadcast_in_dim3A_171 = vector.shape_cast %add3A_164 : vector<64x64xf32> to vector<64x1x64xf32>
    %broadcast_in_dim3A_172 = vector.shape_cast %dot_general3A_166 : vector<64x64xf32> to vector<1x64x64xf32>
    %add3A_173 = vector.broadcast %broadcast_in_dim3A_171 : vector<64x1x64xf32> to vector<64x64x64xf32>
    %add3A_174 = vector.broadcast %broadcast_in_dim3A_172 : vector<1x64x64xf32> to vector<64x64x64xf32>
    %add3A_175 = arith.addf %add3A_173, %add3A_174 : vector<64x64x64xf32>
    %max3A_176 = arith.constant 0.000000e+00 : f32
    %max3A_177 = vector.broadcast %max3A_176 : f32 to vector<64x64x64xf32>
    %max3A_178 = arith.maximumf %add3A_175, %max3A_177 : vector<64x64x64xf32>
    %broadcast_in_dim3A_179 = vector.shape_cast %get3A_32 : vector<1x64xf32> to vector<1x1x64xf32>
    %mul3A_180 = vector.broadcast %broadcast_in_dim3A_179 : vector<1x1x64xf32> to vector<64x64x64xf32>
    %mul3A_181 = arith.mulf %max3A_178, %mul3A_180 : vector<64x64x64xf32>
    %reduce_sum3A_182 = arith.constant dense<0.000000e+00> : vector<64x64xf32>
    %reduce_sum3A_183 = vector.multi_reduction <add>, %mul3A_181, %reduce_sum3A_182 [2] : vector<64x64x64xf32> to vector<64x64xf32>
    %add3A_184 = vector.broadcast %get3A_36 : f32 to vector<64x64xf32>
    %add3A_185 = arith.addf %reduce_sum3A_183, %add3A_184 : vector<64x64xf32>
    %broadcast_in_dim3A_186 = vector.shape_cast %add3A_170 : vector<64x1xf32> to vector<64x1xf32>
    %broadcast_in_dim3A_187 = vector.broadcast %broadcast_in_dim3A_186 : vector<64x1xf32> to vector<64x64xf32>
    %select_n3A_188 = arith.select %eq3A, %broadcast_in_dim3A_187, %add3A_185 : vector<64x64xi1>, vector<64x64xf32>
    %swap3A_189 = arith.constant 2 : index
    %swap3A_190 = arith.constant 0 : index
    %swap3A_191 = arith.constant 0 : index
    %swap3A_192 = vector.load %arg12[%swap3A_189, %swap3A_190, %swap3A_191] : memref<8x72x128xf32, #tpu.memory_space<vmem>>, vector<1x64x64xf32>
    %swap3A_193 = vector.shape_cast %swap3A_192 : vector<1x64x64xf32> to vector<64x64xf32>
    %swap3A_194 = vector.shape_cast %select_n3A_188 : vector<64x64xf32> to vector<1x64x64xf32>
    tpu.vector_store %arg12[%swap3A_189, %swap3A_190, %swap3A_191], %swap3A_194 {strides = array<i32>} : memref<8x72x128xf32, #tpu.memory_space<vmem>>, vector<1x64x64xf32>,
    %swap3A_195 = arith.constant 2 : index
    %swap3A_196 = arith.constant 64 : index
    %swap3A_197 = arith.constant 0 : index
    %swap3A_198 = vector.load %arg12[%swap3A_195, %swap3A_196, %swap3A_197] : memref<8x72x128xf32, #tpu.memory_space<vmem>>, vector<1x1x64xf32>
    %swap3A_199 = vector.shape_cast %swap3A_198 : vector<1x1x64xf32> to vector<1x64xf32>
    %swap3A_200 = vector.shape_cast %broadcast_in_dim3A_41 : vector<1x64xf32> to vector<1x1x64xf32>
    tpu.vector_store %arg12[%swap3A_195, %swap3A_196, %swap3A_197], %swap3A_200 {strides = array<i32>} : memref<8x72x128xf32, #tpu.memory_space<vmem>>, vector<1x1x64xf32>,
    %get3A_201 = arith.constant 3 : index
    %get3A_202 = arith.constant 0 : index
    %get3A_203 = arith.constant 0 : index
    %get3A_204 = vector.load %arg13[%get3A_201, %get3A_202, %get3A_203] : memref<8x32x64xf32, #tpu.memory_space<vmem>>, vector<1x32x64xf32>
    %get3A_205 = vector.shape_cast %get3A_204 : vector<1x32x64xf32> to vector<32x64xf32>
    %dot_general3A_206 = arith.constant dense<0.000000e+00> : vector<64x64xf32>
    %dot_general3A_207 = tpu.matmul %get3A_205, %get3A_11, %dot_general3A_206 {dimension_numbers = #tpu.dot_dimension_numbers<[0], [0], [1], [1], [0, 1, 1, 1], [], []>, transpose_lhs_hint = false} : vector<32x64xf32>, vector<32x64xf32>, vector<64x64xf32> -> vector<64x64xf32>
    %get3A_208 = arith.constant 0 : index
    %get3A_209 = arith.constant 0 : index
    %get3A_210 = vector.load %arg3[%get3A_208, %get3A_209] : memref<1x64xf32, #tpu.memory_space<vmem>>, vector<1x64xf32>
    %add3A_211 = vector.broadcast %get3A_210 : vector<1x64xf32> to vector<64x64xf32>
    %add3A_212 = arith.addf %dot_general3A_207, %add3A_211 : vector<64x64xf32>
    %dot_general3A_213 = arith.constant dense<0.000000e+00> : vector<64x64xf32>
    %dot_general3A_214 = tpu.matmul %add3A_212, %get3A_14, %dot_general3A_213 {dimension_numbers = #tpu.dot_dimension_numbers<[1], [1], [0], [0], [0, 0, 1, 0], [], []>, transpose_lhs_hint = false} : vector<64x64xf32>, vector<64x64xf32>, vector<64x64xf32> -> vector<64x64xf32>
    %get3A_215 = arith.constant 0 : index
    %get3A_216 = arith.constant 0 : index
    %get3A_217 = vector.load %arg5[%get3A_215, %get3A_216] : memref<1x64xf32, #tpu.memory_space<vmem>>, vector<1x64xf32>
    %add3A_218 = vector.broadcast %get3A_217 : vector<1x64xf32> to vector<64x64xf32>
    %add3A_219 = arith.addf %dot_general3A_214, %add3A_218 : vector<64x64xf32>
    %dot_general3A_220 = arith.constant dense<0.000000e+00> : vector<64x64xf32>
    %dot_general3A_221 = tpu.matmul %add3A_212, %get3A_17, %dot_general3A_220 {dimension_numbers = #tpu.dot_dimension_numbers<[1], [1], [0], [0], [0, 0, 1, 0], [], []>, transpose_lhs_hint = false} : vector<64x64xf32>, vector<64x64xf32>, vector<64x64xf32> -> vector<64x64xf32>
    %dot_general3A_222 = arith.constant dense<0.000000e+00> : vector<64x1xf32>
    %dot_general3A_223 = tpu.matmul %add3A_212, %dot_general3A_24, %dot_general3A_222 {dimension_numbers = #tpu.dot_dimension_numbers<[1], [0], [0], [1], [0, 0, 1, 1], [], []>, transpose_lhs_hint = false} : vector<64x64xf32>, vector<64x1xf32>, vector<64x1xf32> -> vector<64x1xf32>
    %add3A_224 = vector.broadcast %dot_general3A_29 : vector<1x1xf32> to vector<64x1xf32>
    %add3A_225 = arith.addf %dot_general3A_223, %add3A_224 : vector<64x1xf32>
    %broadcast_in_dim3A_226 = vector.shape_cast %add3A_219 : vector<64x64xf32> to vector<64x1x64xf32>
    %broadcast_in_dim3A_227 = vector.shape_cast %dot_general3A_221 : vector<64x64xf32> to vector<1x64x64xf32>
    %add3A_228 = vector.broadcast %broadcast_in_dim3A_226 : vector<64x1x64xf32> to vector<64x64x64xf32>
    %add3A_229 = vector.broadcast %broadcast_in_dim3A_227 : vector<1x64x64xf32> to vector<64x64x64xf32>
    %add3A_230 = arith.addf %add3A_228, %add3A_229 : vector<64x64x64xf32>
    %max3A_231 = arith.constant 0.000000e+00 : f32
    %max3A_232 = vector.broadcast %max3A_231 : f32 to vector<64x64x64xf32>
    %max3A_233 = arith.maximumf %add3A_230, %max3A_232 : vector<64x64x64xf32>
    %broadcast_in_dim3A_234 = vector.shape_cast %get3A_32 : vector<1x64xf32> to vector<1x1x64xf32>
    %mul3A_235 = vector.broadcast %broadcast_in_dim3A_234 : vector<1x1x64xf32> to vector<64x64x64xf32>
    %mul3A_236 = arith.mulf %max3A_233, %mul3A_235 : vector<64x64x64xf32>
    %reduce_sum3A_237 = arith.constant dense<0.000000e+00> : vector<64x64xf32>
    %reduce_sum3A_238 = vector.multi_reduction <add>, %mul3A_236, %reduce_sum3A_237 [2] : vector<64x64x64xf32> to vector<64x64xf32>
    %add3A_239 = vector.broadcast %get3A_36 : f32 to vector<64x64xf32>
    %add3A_240 = arith.addf %reduce_sum3A_238, %add3A_239 : vector<64x64xf32>
    %broadcast_in_dim3A_241 = vector.shape_cast %add3A_225 : vector<64x1xf32> to vector<64x1xf32>
    %broadcast_in_dim3A_242 = vector.broadcast %broadcast_in_dim3A_241 : vector<64x1xf32> to vector<64x64xf32>
    %select_n3A_243 = arith.select %eq3A, %broadcast_in_dim3A_242, %add3A_240 : vector<64x64xi1>, vector<64x64xf32>
    %swap3A_244 = arith.constant 3 : index
    %swap3A_245 = arith.constant 0 : index
    %swap3A_246 = arith.constant 0 : index
    %swap3A_247 = vector.load %arg12[%swap3A_244, %swap3A_245, %swap3A_246] : memref<8x72x128xf32, #tpu.memory_space<vmem>>, vector<1x64x64xf32>
    %swap3A_248 = vector.shape_cast %swap3A_247 : vector<1x64x64xf32> to vector<64x64xf32>
    %swap3A_249 = vector.shape_cast %select_n3A_243 : vector<64x64xf32> to vector<1x64x64xf32>
    tpu.vector_store %arg12[%swap3A_244, %swap3A_245, %swap3A_246], %swap3A_249 {strides = array<i32>} : memref<8x72x128xf32, #tpu.memory_space<vmem>>, vector<1x64x64xf32>,
    %swap3A_250 = arith.constant 3 : index
    %swap3A_251 = arith.constant 64 : index
    %swap3A_252 = arith.constant 0 : index
    %swap3A_253 = vector.load %arg12[%swap3A_250, %swap3A_251, %swap3A_252] : memref<8x72x128xf32, #tpu.memory_space<vmem>>, vector<1x1x64xf32>
    %swap3A_254 = vector.shape_cast %swap3A_253 : vector<1x1x64xf32> to vector<1x64xf32>
    %swap3A_255 = vector.shape_cast %broadcast_in_dim3A_41 : vector<1x64xf32> to vector<1x1x64xf32>
    tpu.vector_store %arg12[%swap3A_250, %swap3A_251, %swap3A_252], %swap3A_255 {strides = array<i32>} : memref<8x72x128xf32, #tpu.memory_space<vmem>>, vector<1x1x64xf32>,
    %get3A_256 = arith.constant 4 : index
    %get3A_257 = arith.constant 0 : index
    %get3A_258 = arith.constant 0 : index
    %get3A_259 = vector.load %arg13[%get3A_256, %get3A_257, %get3A_258] : memref<8x32x64xf32, #tpu.memory_space<vmem>>, vector<1x32x64xf32>
    %get3A_260 = vector.shape_cast %get3A_259 : vector<1x32x64xf32> to vector<32x64xf32>
    %dot_general3A_261 = arith.constant dense<0.000000e+00> : vector<64x64xf32>
    %dot_general3A_262 = tpu.matmul %get3A_260, %get3A_11, %dot_general3A_261 {dimension_numbers = #tpu.dot_dimension_numbers<[0], [0], [1], [1], [0, 1, 1, 1], [], []>, transpose_lhs_hint = false} : vector<32x64xf32>, vector<32x64xf32>, vector<64x64xf32> -> vector<64x64xf32>
    %get3A_263 = arith.constant 0 : index
    %get3A_264 = arith.constant 0 : index
    %get3A_265 = vector.load %arg3[%get3A_263, %get3A_264] : memref<1x64xf32, #tpu.memory_space<vmem>>, vector<1x64xf32>
    %add3A_266 = vector.broadcast %get3A_265 : vector<1x64xf32> to vector<64x64xf32>
    %add3A_267 = arith.addf %dot_general3A_262, %add3A_266 : vector<64x64xf32>
    %dot_general3A_268 = arith.constant dense<0.000000e+00> : vector<64x64xf32>
    %dot_general3A_269 = tpu.matmul %add3A_267, %get3A_14, %dot_general3A_268 {dimension_numbers = #tpu.dot_dimension_numbers<[1], [1], [0], [0], [0, 0, 1, 0], [], []>, transpose_lhs_hint = false} : vector<64x64xf32>, vector<64x64xf32>, vector<64x64xf32> -> vector<64x64xf32>
    %get3A_270 = arith.constant 0 : index
    %get3A_271 = arith.constant 0 : index
    %get3A_272 = vector.load %arg5[%get3A_270, %get3A_271] : memref<1x64xf32, #tpu.memory_space<vmem>>, vector<1x64xf32>
    %add3A_273 = vector.broadcast %get3A_272 : vector<1x64xf32> to vector<64x64xf32>
    %add3A_274 = arith.addf %dot_general3A_269, %add3A_273 : vector<64x64xf32>
    %dot_general3A_275 = arith.constant dense<0.000000e+00> : vector<64x64xf32>
    %dot_general3A_276 = tpu.matmul %add3A_267, %get3A_17, %dot_general3A_275 {dimension_numbers = #tpu.dot_dimension_numbers<[1], [1], [0], [0], [0, 0, 1, 0], [], []>, transpose_lhs_hint = false} : vector<64x64xf32>, vector<64x64xf32>, vector<64x64xf32> -> vector<64x64xf32>
    %dot_general3A_277 = arith.constant dense<0.000000e+00> : vector<64x1xf32>
    %dot_general3A_278 = tpu.matmul %add3A_267, %dot_general3A_24, %dot_general3A_277 {dimension_numbers = #tpu.dot_dimension_numbers<[1], [0], [0], [1], [0, 0, 1, 1], [], []>, transpose_lhs_hint = false} : vector<64x64xf32>, vector<64x1xf32>, vector<64x1xf32> -> vector<64x1xf32>
    %add3A_279 = vector.broadcast %dot_general3A_29 : vector<1x1xf32> to vector<64x1xf32>
    %add3A_280 = arith.addf %dot_general3A_278, %add3A_279 : vector<64x1xf32>
    %broadcast_in_dim3A_281 = vector.shape_cast %add3A_274 : vector<64x64xf32> to vector<64x1x64xf32>
    %broadcast_in_dim3A_282 = vector.shape_cast %dot_general3A_276 : vector<64x64xf32> to vector<1x64x64xf32>
    %add3A_283 = vector.broadcast %broadcast_in_dim3A_281 : vector<64x1x64xf32> to vector<64x64x64xf32>
    %add3A_284 = vector.broadcast %broadcast_in_dim3A_282 : vector<1x64x64xf32> to vector<64x64x64xf32>
    %add3A_285 = arith.addf %add3A_283, %add3A_284 : vector<64x64x64xf32>
    %max3A_286 = arith.constant 0.000000e+00 : f32
    %max3A_287 = vector.broadcast %max3A_286 : f32 to vector<64x64x64xf32>
    %max3A_288 = arith.maximumf %add3A_285, %max3A_287 : vector<64x64x64xf32>
    %broadcast_in_dim3A_289 = vector.shape_cast %get3A_32 : vector<1x64xf32> to vector<1x1x64xf32>
    %mul3A_290 = vector.broadcast %broadcast_in_dim3A_289 : vector<1x1x64xf32> to vector<64x64x64xf32>
    %mul3A_291 = arith.mulf %max3A_288, %mul3A_290 : vector<64x64x64xf32>
    %reduce_sum3A_292 = arith.constant dense<0.000000e+00> : vector<64x64xf32>
    %reduce_sum3A_293 = vector.multi_reduction <add>, %mul3A_291, %reduce_sum3A_292 [2] : vector<64x64x64xf32> to vector<64x64xf32>
    %add3A_294 = vector.broadcast %get3A_36 : f32 to vector<64x64xf32>
    %add3A_295 = arith.addf %reduce_sum3A_293, %add3A_294 : vector<64x64xf32>
    %broadcast_in_dim3A_296 = vector.shape_cast %add3A_280 : vector<64x1xf32> to vector<64x1xf32>
    %broadcast_in_dim3A_297 = vector.broadcast %broadcast_in_dim3A_296 : vector<64x1xf32> to vector<64x64xf32>
    %select_n3A_298 = arith.select %eq3A, %broadcast_in_dim3A_297, %add3A_295 : vector<64x64xi1>, vector<64x64xf32>
    %swap3A_299 = arith.constant 4 : index
    %swap3A_300 = arith.constant 0 : index
    %swap3A_301 = arith.constant 0 : index
    %swap3A_302 = vector.load %arg12[%swap3A_299, %swap3A_300, %swap3A_301] : memref<8x72x128xf32, #tpu.memory_space<vmem>>, vector<1x64x64xf32>
    %swap3A_303 = vector.shape_cast %swap3A_302 : vector<1x64x64xf32> to vector<64x64xf32>
    %swap3A_304 = vector.shape_cast %select_n3A_298 : vector<64x64xf32> to vector<1x64x64xf32>
    tpu.vector_store %arg12[%swap3A_299, %swap3A_300, %swap3A_301], %swap3A_304 {strides = array<i32>} : memref<8x72x128xf32, #tpu.memory_space<vmem>>, vector<1x64x64xf32>,
    %swap3A_305 = arith.constant 4 : index
    %swap3A_306 = arith.constant 64 : index
    %swap3A_307 = arith.constant 0 : index
    %swap3A_308 = vector.load %arg12[%swap3A_305, %swap3A_306, %swap3A_307] : memref<8x72x128xf32, #tpu.memory_space<vmem>>, vector<1x1x64xf32>
    %swap3A_309 = vector.shape_cast %swap3A_308 : vector<1x1x64xf32> to vector<1x64xf32>
    %swap3A_310 = vector.shape_cast %broadcast_in_dim3A_41 : vector<1x64xf32> to vector<1x1x64xf32>
    tpu.vector_store %arg12[%swap3A_305, %swap3A_306, %swap3A_307], %swap3A_310 {strides = array<i32>} : memref<8x72x128xf32, #tpu.memory_space<vmem>>, vector<1x1x64xf32>,
    %get3A_311 = arith.constant 5 : index
    %get3A_312 = arith.constant 0 : index
    %get3A_313 = arith.constant 0 : index
    %get3A_314 = vector.load %arg13[%get3A_311, %get3A_312, %get3A_313] : memref<8x32x64xf32, #tpu.memory_space<vmem>>, vector<1x32x64xf32>
    %get3A_315 = vector.shape_cast %get3A_314 : vector<1x32x64xf32> to vector<32x64xf32>
    %dot_general3A_316 = arith.constant dense<0.000000e+00> : vector<64x64xf32>
    %dot_general3A_317 = tpu.matmul %get3A_315, %get3A_11, %dot_general3A_316 {dimension_numbers = #tpu.dot_dimension_numbers<[0], [0], [1], [1], [0, 1, 1, 1], [], []>, transpose_lhs_hint = false} : vector<32x64xf32>, vector<32x64xf32>, vector<64x64xf32> -> vector<64x64xf32>
    %get3A_318 = arith.constant 0 : index
    %get3A_319 = arith.constant 0 : index
    %get3A_320 = vector.load %arg3[%get3A_318, %get3A_319] : memref<1x64xf32, #tpu.memory_space<vmem>>, vector<1x64xf32>
    %add3A_321 = vector.broadcast %get3A_320 : vector<1x64xf32> to vector<64x64xf32>
    %add3A_322 = arith.addf %dot_general3A_317, %add3A_321 : vector<64x64xf32>
    %dot_general3A_323 = arith.constant dense<0.000000e+00> : vector<64x64xf32>
    %dot_general3A_324 = tpu.matmul %add3A_322, %get3A_14, %dot_general3A_323 {dimension_numbers = #tpu.dot_dimension_numbers<[1], [1], [0], [0], [0, 0, 1, 0], [], []>, transpose_lhs_hint = false} : vector<64x64xf32>, vector<64x64xf32>, vector<64x64xf32> -> vector<64x64xf32>
    %get3A_325 = arith.constant 0 : index
    %get3A_326 = arith.constant 0 : index
    %get3A_327 = vector.load %arg5[%get3A_325, %get3A_326] : memref<1x64xf32, #tpu.memory_space<vmem>>, vector<1x64xf32>
    %add3A_328 = vector.broadcast %get3A_327 : vector<1x64xf32> to vector<64x64xf32>
    %add3A_329 = arith.addf %dot_general3A_324, %add3A_328 : vector<64x64xf32>
    %dot_general3A_330 = arith.constant dense<0.000000e+00> : vector<64x64xf32>
    %dot_general3A_331 = tpu.matmul %add3A_322, %get3A_17, %dot_general3A_330 {dimension_numbers = #tpu.dot_dimension_numbers<[1], [1], [0], [0], [0, 0, 1, 0], [], []>, transpose_lhs_hint = false} : vector<64x64xf32>, vector<64x64xf32>, vector<64x64xf32> -> vector<64x64xf32>
    %dot_general3A_332 = arith.constant dense<0.000000e+00> : vector<64x1xf32>
    %dot_general3A_333 = tpu.matmul %add3A_322, %dot_general3A_24, %dot_general3A_332 {dimension_numbers = #tpu.dot_dimension_numbers<[1], [0], [0], [1], [0, 0, 1, 1], [], []>, transpose_lhs_hint = false} : vector<64x64xf32>, vector<64x1xf32>, vector<64x1xf32> -> vector<64x1xf32>
    %add3A_334 = vector.broadcast %dot_general3A_29 : vector<1x1xf32> to vector<64x1xf32>
    %add3A_335 = arith.addf %dot_general3A_333, %add3A_334 : vector<64x1xf32>
    %broadcast_in_dim3A_336 = vector.shape_cast %add3A_329 : vector<64x64xf32> to vector<64x1x64xf32>
    %broadcast_in_dim3A_337 = vector.shape_cast %dot_general3A_331 : vector<64x64xf32> to vector<1x64x64xf32>
    %add3A_338 = vector.broadcast %broadcast_in_dim3A_336 : vector<64x1x64xf32> to vector<64x64x64xf32>
    %add3A_339 = vector.broadcast %broadcast_in_dim3A_337 : vector<1x64x64xf32> to vector<64x64x64xf32>
    %add3A_340 = arith.addf %add3A_338, %add3A_339 : vector<64x64x64xf32>
    %max3A_341 = arith.constant 0.000000e+00 : f32
    %max3A_342 = vector.broadcast %max3A_341 : f32 to vector<64x64x64xf32>
    %max3A_343 = arith.maximumf %add3A_340, %max3A_342 : vector<64x64x64xf32>
    %broadcast_in_dim3A_344 = vector.shape_cast %get3A_32 : vector<1x64xf32> to vector<1x1x64xf32>
    %mul3A_345 = vector.broadcast %broadcast_in_dim3A_344 : vector<1x1x64xf32> to vector<64x64x64xf32>
    %mul3A_346 = arith.mulf %max3A_343, %mul3A_345 : vector<64x64x64xf32>
    %reduce_sum3A_347 = arith.constant dense<0.000000e+00> : vector<64x64xf32>
    %reduce_sum3A_348 = vector.multi_reduction <add>, %mul3A_346, %reduce_sum3A_347 [2] : vector<64x64x64xf32> to vector<64x64xf32>
    %add3A_349 = vector.broadcast %get3A_36 : f32 to vector<64x64xf32>
    %add3A_350 = arith.addf %reduce_sum3A_348, %add3A_349 : vector<64x64xf32>
    %broadcast_in_dim3A_351 = vector.shape_cast %add3A_335 : vector<64x1xf32> to vector<64x1xf32>
    %broadcast_in_dim3A_352 = vector.broadcast %broadcast_in_dim3A_351 : vector<64x1xf32> to vector<64x64xf32>
    %select_n3A_353 = arith.select %eq3A, %broadcast_in_dim3A_352, %add3A_350 : vector<64x64xi1>, vector<64x64xf32>
    %swap3A_354 = arith.constant 5 : index
    %swap3A_355 = arith.constant 0 : index
    %swap3A_356 = arith.constant 0 : index
    %swap3A_357 = vector.load %arg12[%swap3A_354, %swap3A_355, %swap3A_356] : memref<8x72x128xf32, #tpu.memory_space<vmem>>, vector<1x64x64xf32>
    %swap3A_358 = vector.shape_cast %swap3A_357 : vector<1x64x64xf32> to vector<64x64xf32>
    %swap3A_359 = vector.shape_cast %select_n3A_353 : vector<64x64xf32> to vector<1x64x64xf32>
    tpu.vector_store %arg12[%swap3A_354, %swap3A_355, %swap3A_356], %swap3A_359 {strides = array<i32>} : memref<8x72x128xf32, #tpu.memory_space<vmem>>, vector<1x64x64xf32>,
    %swap3A_360 = arith.constant 5 : index
    %swap3A_361 = arith.constant 64 : index
    %swap3A_362 = arith.constant 0 : index
    %swap3A_363 = vector.load %arg12[%swap3A_360, %swap3A_361, %swap3A_362] : memref<8x72x128xf32, #tpu.memory_space<vmem>>, vector<1x1x64xf32>
    %swap3A_364 = vector.shape_cast %swap3A_363 : vector<1x1x64xf32> to vector<1x64xf32>
    %swap3A_365 = vector.shape_cast %broadcast_in_dim3A_41 : vector<1x64xf32> to vector<1x1x64xf32>
    tpu.vector_store %arg12[%swap3A_360, %swap3A_361, %swap3A_362], %swap3A_365 {strides = array<i32>} : memref<8x72x128xf32, #tpu.memory_space<vmem>>, vector<1x1x64xf32>,
    %get3A_366 = arith.constant 6 : index
    %get3A_367 = arith.constant 0 : index
    %get3A_368 = arith.constant 0 : index
    %get3A_369 = vector.load %arg13[%get3A_366, %get3A_367, %get3A_368] : memref<8x32x64xf32, #tpu.memory_space<vmem>>, vector<1x32x64xf32>
    %get3A_370 = vector.shape_cast %get3A_369 : vector<1x32x64xf32> to vector<32x64xf32>
    %dot_general3A_371 = arith.constant dense<0.000000e+00> : vector<64x64xf32>
    %dot_general3A_372 = tpu.matmul %get3A_370, %get3A_11, %dot_general3A_371 {dimension_numbers = #tpu.dot_dimension_numbers<[0], [0], [1], [1], [0, 1, 1, 1], [], []>, transpose_lhs_hint = false} : vector<32x64xf32>, vector<32x64xf32>, vector<64x64xf32> -> vector<64x64xf32>
    %get3A_373 = arith.constant 0 : index
    %get3A_374 = arith.constant 0 : index
    %get3A_375 = vector.load %arg3[%get3A_373, %get3A_374] : memref<1x64xf32, #tpu.memory_space<vmem>>, vector<1x64xf32>
    %add3A_376 = vector.broadcast %get3A_375 : vector<1x64xf32> to vector<64x64xf32>
    %add3A_377 = arith.addf %dot_general3A_372, %add3A_376 : vector<64x64xf32>
    %dot_general3A_378 = arith.constant dense<0.000000e+00> : vector<64x64xf32>
    %dot_general3A_379 = tpu.matmul %add3A_377, %get3A_14, %dot_general3A_378 {dimension_numbers = #tpu.dot_dimension_numbers<[1], [1], [0], [0], [0, 0, 1, 0], [], []>, transpose_lhs_hint = false} : vector<64x64xf32>, vector<64x64xf32>, vector<64x64xf32> -> vector<64x64xf32>
    %get3A_380 = arith.constant 0 : index
    %get3A_381 = arith.constant 0 : index
    %get3A_382 = vector.load %arg5[%get3A_380, %get3A_381] : memref<1x64xf32, #tpu.memory_space<vmem>>, vector<1x64xf32>
    %add3A_383 = vector.broadcast %get3A_382 : vector<1x64xf32> to vector<64x64xf32>
    %add3A_384 = arith.addf %dot_general3A_379, %add3A_383 : vector<64x64xf32>
    %dot_general3A_385 = arith.constant dense<0.000000e+00> : vector<64x64xf32>
    %dot_general3A_386 = tpu.matmul %add3A_377, %get3A_17, %dot_general3A_385 {dimension_numbers = #tpu.dot_dimension_numbers<[1], [1], [0], [0], [0, 0, 1, 0], [], []>, transpose_lhs_hint = false} : vector<64x64xf32>, vector<64x64xf32>, vector<64x64xf32> -> vector<64x64xf32>
    %dot_general3A_387 = arith.constant dense<0.000000e+00> : vector<64x1xf32>
    %dot_general3A_388 = tpu.matmul %add3A_377, %dot_general3A_24, %dot_general3A_387 {dimension_numbers = #tpu.dot_dimension_numbers<[1], [0], [0], [1], [0, 0, 1, 1], [], []>, transpose_lhs_hint = false} : vector<64x64xf32>, vector<64x1xf32>, vector<64x1xf32> -> vector<64x1xf32>
    %add3A_389 = vector.broadcast %dot_general3A_29 : vector<1x1xf32> to vector<64x1xf32>
    %add3A_390 = arith.addf %dot_general3A_388, %add3A_389 : vector<64x1xf32>
    %broadcast_in_dim3A_391 = vector.shape_cast %add3A_384 : vector<64x64xf32> to vector<64x1x64xf32>
    %broadcast_in_dim3A_392 = vector.shape_cast %dot_general3A_386 : vector<64x64xf32> to vector<1x64x64xf32>
    %add3A_393 = vector.broadcast %broadcast_in_dim3A_391 : vector<64x1x64xf32> to vector<64x64x64xf32>
    %add3A_394 = vector.broadcast %broadcast_in_dim3A_392 : vector<1x64x64xf32> to vector<64x64x64xf32>
    %add3A_395 = arith.addf %add3A_393, %add3A_394 : vector<64x64x64xf32>
    %max3A_396 = arith.constant 0.000000e+00 : f32
    %max3A_397 = vector.broadcast %max3A_396 : f32 to vector<64x64x64xf32>
    %max3A_398 = arith.maximumf %add3A_395, %max3A_397 : vector<64x64x64xf32>
    %broadcast_in_dim3A_399 = vector.shape_cast %get3A_32 : vector<1x64xf32> to vector<1x1x64xf32>
    %mul3A_400 = vector.broadcast %broadcast_in_dim3A_399 : vector<1x1x64xf32> to vector<64x64x64xf32>
    %mul3A_401 = arith.mulf %max3A_398, %mul3A_400 : vector<64x64x64xf32>
    %reduce_sum3A_402 = arith.constant dense<0.000000e+00> : vector<64x64xf32>
    %reduce_sum3A_403 = vector.multi_reduction <add>, %mul3A_401, %reduce_sum3A_402 [2] : vector<64x64x64xf32> to vector<64x64xf32>
    %add3A_404 = vector.broadcast %get3A_36 : f32 to vector<64x64xf32>
    %add3A_405 = arith.addf %reduce_sum3A_403, %add3A_404 : vector<64x64xf32>
    %broadcast_in_dim3A_406 = vector.shape_cast %add3A_390 : vector<64x1xf32> to vector<64x1xf32>
    %broadcast_in_dim3A_407 = vector.broadcast %broadcast_in_dim3A_406 : vector<64x1xf32> to vector<64x64xf32>
    %select_n3A_408 = arith.select %eq3A, %broadcast_in_dim3A_407, %add3A_405 : vector<64x64xi1>, vector<64x64xf32>
    %swap3A_409 = arith.constant 6 : index
    %swap3A_410 = arith.constant 0 : index
    %swap3A_411 = arith.constant 0 : index
    %swap3A_412 = vector.load %arg12[%swap3A_409, %swap3A_410, %swap3A_411] : memref<8x72x128xf32, #tpu.memory_space<vmem>>, vector<1x64x64xf32>
    %swap3A_413 = vector.shape_cast %swap3A_412 : vector<1x64x64xf32> to vector<64x64xf32>
    %swap3A_414 = vector.shape_cast %select_n3A_408 : vector<64x64xf32> to vector<1x64x64xf32>
    tpu.vector_store %arg12[%swap3A_409, %swap3A_410, %swap3A_411], %swap3A_414 {strides = array<i32>} : memref<8x72x128xf32, #tpu.memory_space<vmem>>, vector<1x64x64xf32>,
    %swap3A_415 = arith.constant 6 : index
    %swap3A_416 = arith.constant 64 : index
    %swap3A_417 = arith.constant 0 : index
    %swap3A_418 = vector.load %arg12[%swap3A_415, %swap3A_416, %swap3A_417] : memref<8x72x128xf32, #tpu.memory_space<vmem>>, vector<1x1x64xf32>
    %swap3A_419 = vector.shape_cast %swap3A_418 : vector<1x1x64xf32> to vector<1x64xf32>
    %swap3A_420 = vector.shape_cast %broadcast_in_dim3A_41 : vector<1x64xf32> to vector<1x1x64xf32>
    tpu.vector_store %arg12[%swap3A_415, %swap3A_416, %swap3A_417], %swap3A_420 {strides = array<i32>} : memref<8x72x128xf32, #tpu.memory_space<vmem>>, vector<1x1x64xf32>,
    %get3A_421 = arith.constant 7 : index
    %get3A_422 = arith.constant 0 : index
    %get3A_423 = arith.constant 0 : index
    %get3A_424 = vector.load %arg13[%get3A_421, %get3A_422, %get3A_423] : memref<8x32x64xf32, #tpu.memory_space<vmem>>, vector<1x32x64xf32>
    %get3A_425 = vector.shape_cast %get3A_424 : vector<1x32x64xf32> to vector<32x64xf32>
    %dot_general3A_426 = arith.constant dense<0.000000e+00> : vector<64x64xf32>
    %dot_general3A_427 = tpu.matmul %get3A_425, %get3A_11, %dot_general3A_426 {dimension_numbers = #tpu.dot_dimension_numbers<[0], [0], [1], [1], [0, 1, 1, 1], [], []>, transpose_lhs_hint = false} : vector<32x64xf32>, vector<32x64xf32>, vector<64x64xf32> -> vector<64x64xf32>
    %get3A_428 = arith.constant 0 : index
    %get3A_429 = arith.constant 0 : index
    %get3A_430 = vector.load %arg3[%get3A_428, %get3A_429] : memref<1x64xf32, #tpu.memory_space<vmem>>, vector<1x64xf32>
    %add3A_431 = vector.broadcast %get3A_430 : vector<1x64xf32> to vector<64x64xf32>
    %add3A_432 = arith.addf %dot_general3A_427, %add3A_431 : vector<64x64xf32>
    %dot_general3A_433 = arith.constant dense<0.000000e+00> : vector<64x64xf32>
    %dot_general3A_434 = tpu.matmul %add3A_432, %get3A_14, %dot_general3A_433 {dimension_numbers = #tpu.dot_dimension_numbers<[1], [1], [0], [0], [0, 0, 1, 0], [], []>, transpose_lhs_hint = false} : vector<64x64xf32>, vector<64x64xf32>, vector<64x64xf32> -> vector<64x64xf32>
    %get3A_435 = arith.constant 0 : index
    %get3A_436 = arith.constant 0 : index
    %get3A_437 = vector.load %arg5[%get3A_435, %get3A_436] : memref<1x64xf32, #tpu.memory_space<vmem>>, vector<1x64xf32>
    %add3A_438 = vector.broadcast %get3A_437 : vector<1x64xf32> to vector<64x64xf32>
    %add3A_439 = arith.addf %dot_general3A_434, %add3A_438 : vector<64x64xf32>
    %dot_general3A_440 = arith.constant dense<0.000000e+00> : vector<64x64xf32>
    %dot_general3A_441 = tpu.matmul %add3A_432, %get3A_17, %dot_general3A_440 {dimension_numbers = #tpu.dot_dimension_numbers<[1], [1], [0], [0], [0, 0, 1, 0], [], []>, transpose_lhs_hint = false} : vector<64x64xf32>, vector<64x64xf32>, vector<64x64xf32> -> vector<64x64xf32>
    %dot_general3A_442 = arith.constant dense<0.000000e+00> : vector<64x1xf32>
    %dot_general3A_443 = tpu.matmul %add3A_432, %dot_general3A_24, %dot_general3A_442 {dimension_numbers = #tpu.dot_dimension_numbers<[1], [0], [0], [1], [0, 0, 1, 1], [], []>, transpose_lhs_hint = false} : vector<64x64xf32>, vector<64x1xf32>, vector<64x1xf32> -> vector<64x1xf32>
    %add3A_444 = vector.broadcast %dot_general3A_29 : vector<1x1xf32> to vector<64x1xf32>
    %add3A_445 = arith.addf %dot_general3A_443, %add3A_444 : vector<64x1xf32>
    %broadcast_in_dim3A_446 = vector.shape_cast %add3A_439 : vector<64x64xf32> to vector<64x1x64xf32>
    %broadcast_in_dim3A_447 = vector.shape_cast %dot_general3A_441 : vector<64x64xf32> to vector<1x64x64xf32>
    %add3A_448 = vector.broadcast %broadcast_in_dim3A_446 : vector<64x1x64xf32> to vector<64x64x64xf32>
    %add3A_449 = vector.broadcast %broadcast_in_dim3A_447 : vector<1x64x64xf32> to vector<64x64x64xf32>
    %add3A_450 = arith.addf %add3A_448, %add3A_449 : vector<64x64x64xf32>
    %max3A_451 = arith.constant 0.000000e+00 : f32
    %max3A_452 = vector.broadcast %max3A_451 : f32 to vector<64x64x64xf32>
    %max3A_453 = arith.maximumf %add3A_450, %max3A_452 : vector<64x64x64xf32>
    %broadcast_in_dim3A_454 = vector.shape_cast %get3A_32 : vector<1x64xf32> to vector<1x1x64xf32>
    %mul3A_455 = vector.broadcast %broadcast_in_dim3A_454 : vector<1x1x64xf32> to vector<64x64x64xf32>
    %mul3A_456 = arith.mulf %max3A_453, %mul3A_455 : vector<64x64x64xf32>
    %reduce_sum3A_457 = arith.constant dense<0.000000e+00> : vector<64x64xf32>
    %reduce_sum3A_458 = vector.multi_reduction <add>, %mul3A_456, %reduce_sum3A_457 [2] : vector<64x64x64xf32> to vector<64x64xf32>
    %add3A_459 = vector.broadcast %get3A_36 : f32 to vector<64x64xf32>
    %add3A_460 = arith.addf %reduce_sum3A_458, %add3A_459 : vector<64x64xf32>
    %broadcast_in_dim3A_461 = vector.shape_cast %add3A_445 : vector<64x1xf32> to vector<64x1xf32>
    %broadcast_in_dim3A_462 = vector.broadcast %broadcast_in_dim3A_461 : vector<64x1xf32> to vector<64x64xf32>
    %select_n3A_463 = arith.select %eq3A, %broadcast_in_dim3A_462, %add3A_460 : vector<64x64xi1>, vector<64x64xf32>
    %swap3A_464 = arith.constant 7 : index
    %swap3A_465 = arith.constant 0 : index
    %swap3A_466 = arith.constant 0 : index
    %swap3A_467 = vector.load %arg12[%swap3A_464, %swap3A_465, %swap3A_466] : memref<8x72x128xf32, #tpu.memory_space<vmem>>, vector<1x64x64xf32>
    %swap3A_468 = vector.shape_cast %swap3A_467 : vector<1x64x64xf32> to vector<64x64xf32>
    %swap3A_469 = vector.shape_cast %select_n3A_463 : vector<64x64xf32> to vector<1x64x64xf32>
    tpu.vector_store %arg12[%swap3A_464, %swap3A_465, %swap3A_466], %swap3A_469 {strides = array<i32>} : memref<8x72x128xf32, #tpu.memory_space<vmem>>, vector<1x64x64xf32>,
    %swap3A_470 = arith.constant 7 : index
    %swap3A_471 = arith.constant 64 : index
    %swap3A_472 = arith.constant 0 : index
    %swap3A_473 = vector.load %arg12[%swap3A_470, %swap3A_471, %swap3A_472] : memref<8x72x128xf32, #tpu.memory_space<vmem>>, vector<1x1x64xf32>
    %swap3A_474 = vector.shape_cast %swap3A_473 : vector<1x1x64xf32> to vector<1x64xf32>
    %swap3A_475 = vector.shape_cast %broadcast_in_dim3A_41 : vector<1x64xf32> to vector<1x1x64xf32>
    tpu.vector_store %arg12[%swap3A_470, %swap3A_471, %swap3A_472], %swap3A_475 {strides = array<i32>} : memref<8x72x128xf32, #tpu.memory_space<vmem>>, vector<1x1x64xf32>,
    return
  }
  func.func @transform_1(%arg0: i32) -> (i32, i32) {
    %c0_i32 = arith.constant 0 : i32
    %c0_i32_0 = arith.constant 0 : i32
    %c0_i32_1 = arith.constant 0 : i32
    return %c0_i32, %c0_i32_0 : i32, i32
  }
  func.func @transform_2(%arg0: i32) -> (i32, i32) {
    %c0_i32 = arith.constant 0 : i32
    %c0_i32_0 = arith.constant 0 : i32
    %c0_i32_1 = arith.constant 0 : i32
    return %c0_i32, %c0_i32_0 : i32, i32
  }
  func.func @transform_3(%arg0: i32) -> (i32, i32) {
    %c0_i32 = arith.constant 0 : i32
    %c0_i32_0 = arith.constant 0 : i32
    %c0_i32_1 = arith.constant 0 : i32
    return %c0_i32, %c0_i32_0 : i32, i32
  }
  func.func @transform_4(%arg0: i32) -> (i32, i32) {
    %c0_i32 = arith.constant 0 : i32
    %c0_i32_0 = arith.constant 0 : i32
    %c0_i32_1 = arith.constant 0 : i32
    return %c0_i32, %c0_i32_0 : i32, i32
  }
  func.func @transform_5(%arg0: i32) -> (i32, i32) {
    %c0_i32 = arith.constant 0 : i32
    %c0_i32_0 = arith.constant 0 : i32
    %c0_i32_1 = arith.constant 0 : i32
    return %c0_i32, %c0_i32_0 : i32, i32
  }
  func.func @transform_6(%arg0: i32) -> (i32, i32) {
    %c0_i32 = arith.constant 0 : i32
    %c0_i32_0 = arith.constant 0 : i32
    %c0_i32_1 = arith.constant 0 : i32
    return %c0_i32, %c0_i32_0 : i32, i32
  }
  func.func @transform_7(%arg0: i32) -> (i32, i32) {
    %c0_i32 = arith.constant 0 : i32
    %c0_i32_0 = arith.constant 0 : i32
    %c0_i32_1 = arith.constant 0 : i32
    return %c0_i32, %c0_i32_0 : i32, i32
  }
  func.func @transform_8(%arg0: i32) -> (i32, i32) {
    %c0_i32 = arith.constant 0 : i32
    %c0_i32_0 = arith.constant 0 : i32
    %c0_i32_1 = arith.constant 0 : i32
    return %c0_i32, %c0_i32_0 : i32, i32
  }
  func.func @transform_9(%arg0: i32) -> (i32, i32) {
    %c0_i32 = arith.constant 0 : i32
    %c0_i32_0 = arith.constant 0 : i32
    %c0_i32_1 = arith.constant 0 : i32
    return %c0_i32, %c0_i32_0 : i32, i32
  }
  func.func @transform_10(%arg0: i32) -> (i32, i32) {
    %c0_i32 = arith.constant 0 : i32
    %c0_i32_0 = arith.constant 0 : i32
    %c0_i32_1 = arith.constant 0 : i32
    return %c0_i32, %c0_i32_0 : i32, i32
  }
  func.func @transform_11(%arg0: i32) -> (i32, i32, i32) {
    %c0_i32 = arith.constant 0 : i32
    %c0_i32_0 = arith.constant 0 : i32
    %c0_i32_1 = arith.constant 0 : i32
    %c0_i32_2 = arith.constant 0 : i32
    return %c0_i32, %c0_i32_0, %c0_i32_1 : i32, i32, i32
  }
}

</mosaic_0001>

<sc_bundles>
// kernel: kernel.4.cloned.1.call-start
scs
__scs_entry_jumppad:
0x0: {  	(pc) =	sbr.rel $0x88, $3  }
0x1: {  	(tag) =	ssettag $0x0;
	lr =	simm.s32 $0x1  }
0x2: {  	[smem:$0x3F95] =	sst lr;
	_ =	strace $0xD0000000  }
0x3: {  	_ = 	snop  }
0x4: {  	_ = 	snop  }
0x5: {  	_ = 	snop  }
0x6: {  	_ = 	snop  }
0x7: {  	_ = 	snop  }
__scs_overlays_trampoline_lowered:
0x8: {  	[smem:$0x3FA4] =	sst s0  }
0x9: {  	[smem:$0x3FA5] =	sst s1  }
0xa: {  	[smem:$0x3FA6] =	sst s2  }
0xb: {  	[smem:$0x3FA7] =	sst s3  }
0xc: {  	[smem:$0x3FA8] =	sst s4  }
0xd: {  	[smem:$0x3FA9] =	sst s5  }
0xe: {  	[smem:$0x3FAA] =	sst s6  }
0xf: {  	[smem:$0x3FAB] =	sst s7  }
0x10: {  	[smem:$0x3FAC] =	sst s8  }
0x11: {  	[smem:$0x3FAD] =	sst s9;
	s0 =	simm.s32 @!p0 $0x0  }
0x12: {  	s1 =	sld [smem:$0x3F93];
	s0 =	simm.s32 @p0 $0x1  }
0x13: {  	[smem:$0x3FAE] =	sst s0;
	s0 =	simm.s32 @!p1 $0x0  }
0x14: {  	s2 =	sld [smem:$0x3F92];
	s0 =	simm.s32 @p1 $0x1  }
0x15: {  	[smem:$0x3FAF] =	sst s0;
	s0 =	simm.s32 @!p2 $0x0  }
0x16: {  	s3 =	sld [smem:$0x3FDB];
	s0 =	simm.s32 @p2 $0x1  }
0x17: {  	s4 =	simm.s32 $0x1BF5;
	[smem:$0x3FB1] =	sst s0  }
0x18: {  	s0 =	sld [smem:$0x3F94];
	_ =	swait.ge [sflag:s4], $0x0  }
0x19: {  	s7 =	sld [smem:$0x3F95]  }
0x1a: {  	s8 =	sadd.s32 $0xFFFFE003, lr  }
0x1b: {  	s9 =	sadd.s32 $0xFFFFFEF7, lr;
	s5 =	simm.s32 $0xFFFFFFFF;
	p2 =	slt.u32 s8, $0xFFFFF086  }
0x1c: {  	p1 =	slt.u32 s9, $0xF7A;
	s5 =	simm.s32 @!p2 $0x0  }
0x1d: {  	s5 =	simm.s32 @p1 $0x1;
	p0 =	seq.s32 s7, s2  }
0x1e: {  	s7 =	smul.u32 @!p0 $0xF7A, s2;
	p2 =	seq.s32 @!p0 s5, $0x0  }
0x1f: {  	s9 =	smul.u32 $0xF7A, s1;
	s8 =	simm.s32 @!p0 $0x1BF5;
	p2 =	por !p2, p0  }
0x20: {  	[sflag:s8] =	ssyncset.s32 @!p0 $0xFFFFF086;
	s6 =	sadd.s32 @!p0 s3, s7;
	s7 =	simm.s32 @!p0 $0x108  }
0x21: {  	s3 =	sadd.s32 s3, s9;
	s6 =	sadd.s32 @!p0 $0x88, s6;
	s7 =	simm.s32 @p2 $0x1082  }
0x22: {  	[simem:s7], [sflag:s8] =	dma.local @!p0 [hbm:s6], $0xF7A  }
0x23: {  	s9 =	sor.u32 $0xD0000000, s2;
	s6 =	simm.s32 $0x108;
	_ =	swait.ge @!p0 [sflag:s8], $0x0  }
0x24: {  	s3 =	sadd.s32 $0x88, s3;
	s6 =	simm.s32 @!p1 $0x1082;
	[sflag:s4] =	ssyncset.s32 $0xFFFFF086  }
0x25: {  	[simem:s6], [sflag:s4] =	dma.local [hbm:s3], $0xF7A  }
0x26: {  	[smem:$0x3F95] =	sst s1;
	(tag) =	ssettag s2;
	_ =	strace s9  }
0x27: {  	s1 =	sld [smem:$0x3FA5]  }
0x28: {  	s2 =	sld [smem:$0x3FA6]  }
0x29: {  	s4 =	sld [smem:$0x3FA8]  }
0x2a: {  	p0 =	seq.s32 s5, $0x0;
	s5 =	sld [smem:$0x3FA9]  }
0x2b: {  	s6 =	sld [smem:$0x3FAA]  }
0x2c: {  	s7 =	sld [smem:$0x3FAB]  }
0x2d: {  	s3 =	simm.s32 $0x108;
	s8 =	sld [smem:$0x3FAC]  }
0x2e: {  	s3 =	simm.s32 @!p0 $0x1082;
	s9 =	sld [smem:$0x3FAD]  }
0x2f: {  	lr =	sadd.s32 s0, s3;
	s0 =	sld [smem:$0x3FA4]  }
0x30: {  	s3 =	sld [smem:$0x3FA7]  }
0x31: {  	[smem:$0x3FB0] =	sst s10  }
0x32: {  	s10 =	sld [smem:$0x3FAE];
	_ =	sdelay $0x3  }
0x33: {  	p0 =	seq.s32 s10, $0x1;
	s10 =	sld [smem:$0x3FB0];
	_ =	sdelay $0x3  }
0x34: {  	[smem:$0x3FB0] =	sst s10  }
0x35: {  	s10 =	sld [smem:$0x3FAF];
	_ =	sdelay $0x3  }
0x36: {  	p1 =	seq.s32 s10, $0x1;
	s10 =	sld [smem:$0x3FB0];
	_ =	sdelay $0x3  }
0x37: {  	[smem:$0x3FB0] =	sst s10  }
0x38: {  	s10 =	sld [smem:$0x3FB1]  }
0x39: {  	_ = 	snop;
	(pc) =	sbr.ind lr, $3  }
0x3a: {  	_ = 	snop  }
0x3b: {  	_ = 	snop  }
0x3c: {  	p2 =	seq.s32 s10, $0x1;
	s10 =	sld [smem:$0x3FB0]  }
0x3d: {  	_ =	shalt  }
0x3e: {  	_ =	shalt  }
0x3f: {  	_ =	shalt  }
0x40: {  	_ =	shalt  }
0x41: {  	_ =	shalt  }
0x42: {  	_ =	shalt  }
0x43: {  	_ =	shalt  }
0x44: {  	_ =	shalt  }
0x45: {  	_ =	shalt  }
0x46: {  	_ =	shalt  }
0x47: {  	_ =	shalt  }
0x48: {  	_ =	shalt  }
0x49: {  	_ =	shalt  }
0x4a: {  	_ =	shalt  }
0x4b: {  	_ =	shalt  }
0x4c: {  	_ =	shalt  }
0x4d: {  	_ =	shalt  }
0x4e: {  	_ =	shalt  }
0x4f: {  	_ =	shalt  }
0x50: {  	_ =	shalt  }
0x51: {  	_ =	shalt  }
0x52: {  	_ =	shalt  }
0x53: {  	_ =	shalt  }
0x54: {  	_ =	shalt  }
0x55: {  	_ =	shalt  }
0x56: {  	_ =	shalt  }
0x57: {  	_ =	shalt  }
0x58: {  	_ =	shalt  }
0x59: {  	_ =	shalt  }
0x5a: {  	_ =	shalt  }
0x5b: {  	_ =	shalt  }
0x5c: {  	_ =	shalt  }
0x5d: {  	_ =	shalt  }
0x5e: {  	_ =	shalt  }
0x5f: {  	_ =	shalt  }
0x60: {  	_ =	shalt  }
0x61: {  	_ =	shalt  }
0x62: {  	_ =	shalt  }
0x63: {  	_ =	shalt  }
0x64: {  	_ =	shalt  }
0x65: {  	_ =	shalt  }
0x66: {  	_ =	shalt  }
0x67: {  	_ =	shalt  }
0x68: {  	_ =	shalt  }
0x69: {  	_ =	shalt  }
0x6a: {  	_ =	shalt  }
0x6b: {  	_ =	shalt  }
0x6c: {  	_ =	shalt  }
0x6d: {  	_ =	shalt  }
0x6e: {  	_ =	shalt  }
0x6f: {  	_ =	shalt  }
0x70: {  	_ =	shalt  }
0x71: {  	_ =	shalt  }
0x72: {  	_ =	shalt  }
0x73: {  	_ =	shalt  }
0x74: {  	_ =	shalt  }
0x75: {  	_ =	shalt  }
0x76: {  	_ =	shalt  }
0x77: {  	_ =	shalt  }
0x78: {  	_ =	shalt  }
0x79: {  	_ =	shalt  }
0x7a: {  	_ =	shalt  }
0x7b: {  	_ =	shalt  }
0x7c: {  	_ =	shalt  }
0x7d: {  	_ =	shalt  }
0x7e: {  	_ =	shalt  }
0x7f: {  	_ =	shalt  }
0x80: {  	_ =	shalt  }
0x81: {  	_ =	shalt  }
0x82: {  	_ =	shalt  }
0x83: {  	_ =	shalt  }
0x84: {  	_ =	shalt  }
0x85: {  	_ =	shalt  }
0x86: {  	_ =	shalt  }
0x87: {  	_ =	shalt  }
.Lfunc_end0:
.L_simem_size_0:
called_computation_lowered:
.L_overlay_start_0:
0x88: {  	s2 =	sld [smem:$0x3FD9]  }
0x89: {  	s3 =	sld [smem:$0x3FFE];
	_ =	sdelay $0x1  }
0x8a: {  	s1 =	srdreg.scid  }
0x8b: {  	s0 =	sand.u32 $0x1, s1  }
0x8c: {  	s14 =	sshll.u32 s0, $0xA;
	s2 =	sadd.s32 s3, s2  }
0x8d: {  	s2 =	sadd.s32 s2, s14  }
0x8e: {  	[smem:$0x3FBC] =	sst s2  }
0x8f: {  	_ = 	snop  }
0x90: {  	s2 =	sld [smem:$0x3FD0];
	_ =	sdelay $0x2  }
0x91: {  	s15 =	simm.s32 $0xA;
	s4 =	simm.s32 $0x10  }
0x92: {  	[smem:s4], [sflag:s15] =	dma.local [hbm:s2], $0x1  }
0x93: {  	_ =	swait.eq [sflag:s15], $0x1  }
0x94: {  	[sflag:s15] =	ssyncset.done $0x0  }
0x95: {  	s16 =	sld [smem:$0x10];
	[sflag:s15] =	ssyncadd.s32 $0xFFFFFFFF  }
0x96: {  	s17 =	sld [smem:$0x11];
	(tm) =	ssettm $0x1  }
0x97: {  	s18 =	sld [smem:$0x3FFB];
	_ =	sdelay $0x3  }
0x98: {  	_ =	strace s18  }
0x99: {  	s4 =	sld [smem:$0x3FFC];
	_ =	sdelay $0x3  }
0x9a: {  	_ =	strace s4  }
0x9b: {  	s4 =	sld [smem:$0x3FFD];
	_ =	sdelay $0x3  }
0x9c: {  	_ =	strace s4  }
0x9d: {  	_ =	strace $0x8FFFFFFF  }
0x9e: {  	s19 =	sld [smem:$0x3FDB];
	_ =	sdelay $0x1  }
0x9f: {  	s5 =	simm.s32 $_scs_section_size  }
0xa0: {  	s6 =	simm.s32 $_size__tile_overlayer_lowered;
	s7 =	simm.s32 $_tile_overlayer_lowered  }
0xa1: {  	s22 =	simm.s32 $0x1BFF;
	s21 =	sshll.u32 s7, $0x1;
	s4 =	sadd.s32 s5, s19  }
0xa2: {  	s8 =	simm.s32 $0x0;
	s20 =	sshll.u32 s6, $0x1;
	s6 =	sadd.s32 s21, s4  }
0xa3: {  	[timem:s8], [sflag:s22] =	dma.local [hbm:s6], s20  }
0xa4: {  	_ =	swait.ge [sflag:s22], s20  }
0xa5: {  	s5 =	ssub.s32 $0x0, s20;
	[sflag:s22] =	ssyncset.done $0x0  }
0xa6: {  	[sflag:s22] =	ssyncadd.s32 s5;
	_ =	sdelay $0x1  }
0xa7: {  	s23 =	simm.s32 $0x1B8B  }
0xa8: {  	_ =	swait.ge [sflag:s23], $0x1  }
0xa9: {  	[sflag:s23] =	ssyncset.done $0x0  }
0xaa: {  	s25 =	simm.s32 $0x1B8E;
	s24 =	sld [smem:$0x3FFE];
	[sflag:s23] =	ssyncadd.s32 $0xFFFFFFFF  }
0xab: {  	s26 =	simm.s32 $execute0_lowered;
	[smem:$0x3FD2] =	sst s25  }
0xac: {  	s6 =	sshll.u32 s26, $0x1;
	_ =	strace $0x80000046;
	[dreg:$0x1] =	wrdreg $0xFFFFFFFF  }
0xad: {  	s28 =	simm.s32 $_size_execute0_lowered;
	s4 =	sadd.s32 s4, s6;
	[dreg:$0x0] =	wrdreg $0x0  }
0xae: {  	s6 =	sshll.u32 s28, $0x1;
	[dreg:$0x2] =	wrdreg s4  }
0xaf: {  	[dreg:$0x3] =	wrdreg s6  }
0xb0: {  	[dreg:$0x4] =	wrdreg $0xC0  }
0xb1: {  	_ =	task [dreg:s8], $0x5FFFF  }
0xb2: {  	[dreg:$0x1] =	wrdreg $0xFFFFFFFF  }
0xb3: {  	[dreg:$0x0] =	wrdreg $0x60  }
0xb4: {  	[dreg:$0x2] =	wrdreg s24  }
0xb5: {  	[dreg:$0x3] =	wrdreg s16  }
0xb6: {  	[dreg:$0x4] =	wrdreg s17  }
0xb7: {  	[dreg:$0x5] =	wrdreg $0x4DC00  }
0xb8: {  	[dreg:$0x6] =	wrdreg $0x4D800  }
0xb9: {  	[dreg:$0x7] =	wrdreg $0x9  }
0xba: {  	_ =	task.clear_ibuf [dreg:s8], $0x8FFFF;
	_ =	strace $0x90000046  }
0xbb: {  	s29 =	simm.s32 $0x9;
	_ =	strace $0x80000048  }
0xbc: {  	_ =	swait.ge [sflag:s29], $0x1  }
0xbd: {  	[sflag:s29] =	ssyncadd.s32 $0xFFFFFFFF  }
0xbe: {  	_ =	strace $0x90000048  }
0xbf: {  	_ =	sfence  }
0xc0: {  	s30 =	sld [smem:$0x0];
	_ =	sdelay $0x2  }
0xc1: {  	s31 =	sshll.u32 s1, $0xD;
	s1 =	sshrl.u32 s1, $0x2  }
0xc2: {  	s3 =	sand.u32 $0x4000, s31;
	s1 =	sadd.s32 s1, s30  }
0xc3: {  	s0 =	sor.u32 s3, s0;
	s1 =	sshll.u32 s1, $0x11  }
0xc4: {  	s0 =	sor.u32 s1, s0  }
0xc5: {  	s0 =	sadd.s32 $0x8F2B, s0  }
0xc6: {  	[sflag:s0] =	ssyncadd.remote.s32 $0x1  }
0xc7: {  	_ =	sfence.sel $0xFFFF  }
0xc8: {  	[dreg:$0x0] =	wrdreg $0xFFFFFFFF;
	(pc) =	sbr.abs _section_cstart, $3  }
0xc9: {  	[dreg:$0x1] =	wrdreg $0xFFFFFFFF  }
0xca: {  	_ =	task.clear_ibuf [dreg:s8], $0x2FFFF;
	_ =	strace $0x9FFFFFFF  }
0xcb: {  	(tm) =	ssettm $0x7FFFFFFF  }
tec
execute0_lowered:
.L_overlay_start_1:
0x0: {  	(tag) =	ssettag $0x1  }
0x1: {  	s3 =	rddreg [dreg:$0x0]  }
0x2: {  	s11 =	rddreg [dreg:$0x1]  }
0x3: {  	s12 =	rddreg [dreg:$0x2]  }
0x4: {  	s1 =	srdreg.scid;
	s8 =	rddreg [dreg:$0x3]  }
0x5: {  	s0 =	stileid.u32;
	s10 =	rddreg [dreg:$0x4];
	s16 =	simm.s32 $0x2BE0  }
0x6: {  	s17 =	simm.s32 $0x2FD0;
	s18 =	simm.s32 $0x1;
	s19 =	simm.s32 $0x3800  }
0x7: {  	s21 =	simm.s32 $0x3C00;
	s22 =	simm.s32 $0x2;
	s23 =	simm.s32 $0x0  }
0x8: {  	s4 =	sand.u32 $0x1, s1;
	s5 =	sshrl.u32 s0, $0x2;
	s20 =	sand.u32 $0x3, s0  }
0x9: {  	s1 =	rddreg [dreg:$0x5];
	s31 =	sshll.u32 s0, $0x6;
	s9 =	smul.u32 $0x3F0, s20  }
0xa: {  	s2 =	sshll.u32 s4, $0x2;
	s4 =	ssub.s32 $0x2, s4;
	s15 =	smul.u32 $0x3F00, s5  }
0xb: {  	s10 =	sadd.s32 s31, s10;
	p0 =	sne.s32 s20, $0x0;
	s20 =	simm.s32 $0x3400  }
0xc: {  	s13 =	sor.u32 s5, s2;
	s2 =	simm.s32 $0x0;
	s14 =	sshrl.u32 s4, $0x1  }
0xd: {  	s6 =	smul.u32 $0x480, s13;
	[smem:$0x7FF] =	sst s2;
	s7 =	sshrl.u32 s9, $0x3  }
0xe: {  	s14 =	ssub.s32 s4, s14;
	s15 =	sshrl.u32 s15, $0x2;
	s13 =	sshll.u32 s13, $0x4  }
0xf: {  	_ =	strace $0x80000047;
	s7 =	sadd.s32 s7, s3;
	s8 =	sadd.s32 s15, s8  }
0x10: {  	s11 =	sadd.s32 s11, s13;
	s12 =	sadd.s32 s12, s13;
	s13 =	smax.u32 s14, $0x1  }
0x11: {  	s14 =	simm.s32 $0x2400;
	s15 =	simm.s32 $0x27F0;
	s6 =	sadd.s32 s6, s3  }
0x12: {  	v1 =	vlaneseq.u32;
	s4 =	sadd.s32 $0x1E00, s7;
	s5 =	sadd.s32 $0x1FF8, s7;
	s9 =	sadd.s32 s9, s8  }
0x13: {  	v0 =	vimm.f32 $0.0e+00;
	v1 =	vmul.u32 $0x40, v1;
	s3 =	sadd.s32 $0x2600, s6;
	s6 =	sadd.s32 $0x21F0, s7;
	s7 =	sadd.s32 $0x23E8, s7  }
.LBB2_1:
0x14: {  	[tilespmem:s2], [sflag:$0x1] =	stream.linear.gather [hbm4b:s3+s2], $0x2400, $0x38;
	[tilespmem:$0x51B0] =	vst v63  }
0x15: {  	_ = 	snop  }
0x16: {  	[tilespmem:s14], [sflag:$0x1] =	stream.linear.gather [hbm4b:s4+s2], $0x3F0, $0x38;
	[tilespmem:$0x51B0] =	vst v63  }
0x17: {  	_ = 	snop  }
0x18: {  	[tilespmem:s15], [sflag:$0x1] =	stream.linear.gather [hbm4b:s5+s2], $0x3F0, $0x38;
	[tilespmem:$0x51B0] =	vst v63  }
0x19: {  	_ = 	snop  }
0x1a: {  	[tilespmem:s16], [sflag:$0x1] =	stream.linear.gather [hbm4b:s6+s2], $0x3F0, $0x38;
	[tilespmem:$0x51B0] =	vst v63  }
0x1b: {  	_ = 	snop  }
0x1c: {  	[tilespmem:s17], [sflag:$0x1] =	stream.linear.gather [hbm4b:s7+s2], $0x3F0, $0x38;
	[tilespmem:$0x51B0] =	vst v63  }
0x1d: {  	[tilespmem:$0x3800] =	vst v0  }
0x1e: {  	[tilespmem:$0x3810] =	vst v0  }
0x1f: {  	[tilespmem:$0x3820] =	vst v0  }
0x20: {  	[tilespmem:$0x3830] =	vst v0  }
0x21: {  	[tilespmem:$0x3840] =	vst v0  }
0x22: {  	[tilespmem:$0x3850] =	vst v0  }
0x23: {  	[tilespmem:$0x3860] =	vst v0  }
0x24: {  	[tilespmem:$0x3870] =	vst v0  }
0x25: {  	[tilespmem:$0x3880] =	vst v0  }
0x26: {  	[tilespmem:$0x3890] =	vst v0  }
0x27: {  	[tilespmem:$0x38A0] =	vst v0  }
0x28: {  	[tilespmem:$0x38B0] =	vst v0  }
0x29: {  	[tilespmem:$0x38C0] =	vst v0  }
0x2a: {  	[tilespmem:$0x38D0] =	vst v0  }
0x2b: {  	[tilespmem:$0x38E0] =	vst v0  }
0x2c: {  	[tilespmem:$0x38F0] =	vst v0  }
0x2d: {  	[tilespmem:$0x3900] =	vst v0  }
0x2e: {  	[tilespmem:$0x3910] =	vst v0  }
0x2f: {  	[tilespmem:$0x3920] =	vst v0  }
0x30: {  	[tilespmem:$0x3930] =	vst v0  }
0x31: {  	[tilespmem:$0x3940] =	vst v0  }
0x32: {  	[tilespmem:$0x3950] =	vst v0  }
0x33: {  	[tilespmem:$0x3960] =	vst v0  }
0x34: {  	[tilespmem:$0x3970] =	vst v0  }
0x35: {  	[tilespmem:$0x3980] =	vst v0  }
0x36: {  	[tilespmem:$0x3990] =	vst v0  }
0x37: {  	[tilespmem:$0x39A0] =	vst v0  }
0x38: {  	[tilespmem:$0x39B0] =	vst v0  }
0x39: {  	[tilespmem:$0x39C0] =	vst v0  }
0x3a: {  	[tilespmem:$0x39D0] =	vst v0  }
0x3b: {  	[tilespmem:$0x39E0] =	vst v0  }
0x3c: {  	[tilespmem:$0x39F0] =	vst v0  }
0x3d: {  	[tilespmem:$0x3A00] =	vst v0  }
0x3e: {  	[tilespmem:$0x3A10] =	vst v0  }
0x3f: {  	[tilespmem:$0x3A20] =	vst v0  }
0x40: {  	[tilespmem:$0x3A30] =	vst v0  }
0x41: {  	[tilespmem:$0x3A40] =	vst v0  }
0x42: {  	[tilespmem:$0x3A50] =	vst v0  }
0x43: {  	[tilespmem:$0x3A60] =	vst v0  }
0x44: {  	[tilespmem:$0x3A70] =	vst v0  }
0x45: {  	[tilespmem:$0x3A80] =	vst v0  }
0x46: {  	[tilespmem:$0x3A90] =	vst v0  }
0x47: {  	[tilespmem:$0x3AA0] =	vst v0  }
0x48: {  	[tilespmem:$0x3AB0] =	vst v0  }
0x49: {  	[tilespmem:$0x3AC0] =	vst v0  }
0x4a: {  	[tilespmem:$0x3AD0] =	vst v0  }
0x4b: {  	[tilespmem:$0x3AE0] =	vst v0  }
0x4c: {  	[tilespmem:$0x3AF0] =	vst v0  }
0x4d: {  	[tilespmem:$0x3B00] =	vst v0  }
0x4e: {  	[tilespmem:$0x3B10] =	vst v0  }
0x4f: {  	[tilespmem:$0x3B20] =	vst v0  }
0x50: {  	[tilespmem:$0x3B30] =	vst v0  }
0x51: {  	[tilespmem:$0x3B40] =	vst v0  }
0x52: {  	[tilespmem:$0x3B50] =	vst v0  }
0x53: {  	[tilespmem:$0x3B60] =	vst v0  }
0x54: {  	[tilespmem:$0x3B70] =	vst v0  }
0x55: {  	[tilespmem:$0x3B80] =	vst v0  }
0x56: {  	[tilespmem:$0x3B90] =	vst v0  }
0x57: {  	[tilespmem:$0x3BA0] =	vst v0  }
0x58: {  	[tilespmem:$0x3BB0] =	vst v0  }
0x59: {  	[tilespmem:$0x3BC0] =	vst v0  }
0x5a: {  	[tilespmem:$0x3BD0] =	vst v0  }
0x5b: {  	[tilespmem:$0x3BE0] =	vst v0  }
0x5c: {  	[tilespmem:$0x3BF0] =	vst v0  }
0x5d: {  	_ =	swait.ge [sflag:s18], $0x2400  }
0x5e: {  	[sflag:s18] =	ssyncset.done $0x0  }
0x5f: {  	[sflag:s18] =	ssyncadd.s32 $0xFFFFDC00  }
0x60: {  	_ =	swait.ge [sflag:s18], $0x3F0  }
0x61: {  	[sflag:s18] =	ssyncset.done $0x0  }
0x62: {  	[sflag:s18] =	ssyncadd.s32 $0xFFFFFC10  }
0x63: {  	_ =	swait.ge [sflag:s18], $0x3F0  }
0x64: {  	[sflag:s18] =	ssyncset.done $0x0  }
0x65: {  	[sflag:s18] =	ssyncadd.s32 $0xFFFFFC10  }
0x66: {  	_ =	swait.ge [sflag:s18], $0x3F0  }
0x67: {  	[sflag:s18] =	ssyncset.done $0x0  }
0x68: {  	[sflag:s18] =	ssyncadd.s32 $0xFFFFFC10  }
0x69: {  	_ =	swait.ge [sflag:s18], $0x3F0  }
0x6a: {  	s24 =	simm.s32 $0x3420;
	[sflag:s18] =	ssyncset.done $0x0  }
0x6b: {  	s25 =	simm.s32 $0x2FF0;
	s26 =	simm.s32 $0x0;
	[sflag:s18] =	ssyncadd.s32 $0xFFFFFC10  }
.LBB2_2:
0x6c: {  	v2 =	vld [tilespmem:s25+$0xFFFFFBF0]  }
0x6d: {  	v3 =	vld [tilespmem:s25+$0xFFFFFFE0];
	_ =	sdelay $0x4  }
0x6e: {  	v4 =	vand.u32 $0xFFFFFF80, v3;
	v2 =	vshll.u32 v2, $0x7  }
0x6f: {  	v3 =	vand.u32 $0x7F, v3;
	v2 =	vadd.s32 v2, v4  }
0x70: {  	v2 =	vor.u32 v3, v2;
	_ =	sdelay $0x4  }
0x71: {  	v2 =	vld.idx.msk [tilespmem:v2+s2+$0x0], $0xffff;
	_ =	sdelay $0x4  }
0x72: {  	[tilespmem:s24+$0xFFFFFFE0] =	vst v2  }
0x73: {  	v3 =	vld [tilespmem:s25+$0xFFFFF410];
	_ =	sdelay $0x4  }
0x74: {  	v54 =	vand.u32 $0xFFFFFF80, v3;
	v5 =	vshll.u32 v3, $0x7  }
0x75: {  	v3 =	vand.u32 $0x7F, v3;
	v4 =	vadd.s32 v54, v5  }
0x76: {  	v3 =	vor.u32 v3, v4;
	_ =	sdelay $0x1  }
0x77: {  	v55 =	vld [tilespmem:s25+$0xFFFFF800];
	_ =	sdelay $0x2  }
0x78: {  	v3 =	vld.idx.msk [tilespmem:v3+s2+$0x0], $0xffff;
	_ =	sdelay $0x1  }
0x79: {  	v4 =	vadd.s32 v1, v55;
	_ =	sdelay $0x2  }
0x7a: {  	v2 =	vmul.f32 v3, v2;
	_ =	sdelay $0x1  }
0x7b: {  	[tilespmem:v4+s19+$0x0] =	vst.idx.add.f32.msk $0xffff, v2  }
0x7c: {  	v2 =	vld [tilespmem:s25+$0xFFFFFC00]  }
0x7d: {  	v3 =	vld [tilespmem:s25+$0xFFFFFFF0];
	_ =	sdelay $0x4  }
0x7e: {  	v56 =	vand.u32 $0xFFFFFF80, v3;
	v2 =	vshll.u32 v2, $0x7  }
0x7f: {  	v3 =	vand.u32 $0x7F, v3;
	v2 =	vadd.s32 v2, v56  }
0x80: {  	v2 =	vor.u32 v3, v2;
	_ =	sdelay $0x4  }
0x81: {  	v2 =	vld.idx.msk [tilespmem:v2+s2+$0x0], $0xffff;
	_ =	sdelay $0x4  }
0x82: {  	[tilespmem:s24+$0xFFFFFFF0] =	vst v2  }
0x83: {  	v3 =	vld [tilespmem:s25+$0xFFFFF420];
	_ =	sdelay $0x4  }
0x84: {  	v57 =	vand.u32 $0xFFFFFF80, v3;
	v58 =	vshll.u32 v3, $0x7  }
0x85: {  	v3 =	vand.u32 $0x7F, v3;
	v4 =	vadd.s32 v57, v58  }
0x86: {  	v3 =	vor.u32 v3, v4  }
0x87: {  	s28 =	sand.u32 $0x7F0, s26  }
0x88: {  	v59 =	vld [tilespmem:s28+$0x2800];
	_ =	sdelay $0x2  }
0x89: {  	v3 =	vld.idx.msk [tilespmem:v3+s2+$0x0], $0xffff;
	_ =	sdelay $0x1  }
0x8a: {  	v4 =	vadd.s32 v1, v59;
	_ =	sdelay $0x2  }
0x8b: {  	v2 =	vmul.f32 v3, v2;
	_ =	sdelay $0x1  }
0x8c: {  	[tilespmem:v4+s19+$0x0] =	vst.idx.add.f32.msk $0xffff, v2  }
0x8d: {  	v2 =	vld [tilespmem:s28+$0x2C00]  }
0x8e: {  	v3 =	vld [tilespmem:s25+$0x0];
	_ =	sdelay $0x4  }
0x8f: {  	v60 =	vand.u32 $0xFFFFFF80, v3;
	v2 =	vshll.u32 v2, $0x7  }
0x90: {  	v3 =	vand.u32 $0x7F, v3;
	v2 =	vadd.s32 v2, v60  }
0x91: {  	v2 =	vor.u32 v3, v2;
	_ =	sdelay $0x4  }
0x92: {  	v2 =	vld.idx.msk [tilespmem:v2+s2+$0x0], $0xffff;
	_ =	sdelay $0x4  }
0x93: {  	[tilespmem:s24+$0x0] =	vst v2  }
0x94: {  	v3 =	vld [tilespmem:s25+$0xFFFFF430];
	_ =	sdelay $0x4  }
0x95: {  	v61 =	vand.u32 $0xFFFFFF80, v3;
	v62 =	vshll.u32 v3, $0x7  }
0x96: {  	v3 =	vand.u32 $0x7F, v3;
	v4 =	vadd.s32 v61, v62  }
0x97: {  	v3 =	vor.u32 v3, v4;
	_ =	sdelay $0x1  }
0x98: {  	v63 =	vld [tilespmem:s25+$0xFFFFF820];
	_ =	sdelay $0x2  }
0x99: {  	v3 =	vld.idx.msk [tilespmem:v3+s2+$0x0], $0xffff;
	_ =	sdelay $0x1  }
0x9a: {  	p1 =	sne.s32 s26, $0x3C0;
	v4 =	vadd.s32 v1, v63  }
.Ltmp0:
0x9b: {  	_ = 	snop;
	(pc) =	sbr.rel @p1 .LBB2_2-.Ltmp0, $3  }
0x9c: {  	_ = 	snop  }
0x9d: {  	v2 =	vmul.f32 v3, v2;
	_ =	sdelay $0x1  }
0x9e: {  	s26 =	sadd.s32 $0x30, s26;
	s24 =	sadd.s32 $0x30, s24;
	s25 =	sadd.s32 $0x30, s25;
	[tilespmem:v4+s19+$0x0] =	vst.idx.add.f32.msk $0xffff, v2  }
0x9f: {  	v2 =	vld [tilespmem:$0x3800]  }
0xa0: {  	v3 =	vld [tilespmem:$0x3840]  }
0xa1: {  	v4 =	vld [tilespmem:$0x3880]  }
0xa2: {  	v5 =	vld [tilespmem:$0x38C0]  }
0xa3: {  	v6 =	vld [tilespmem:$0x3900]  }
0xa4: {  	v7 =	vld [tilespmem:$0x3940]  }
0xa5: {  	v8 =	vld [tilespmem:$0x3980]  }
0xa6: {  	v9 =	vld [tilespmem:$0x39C0]  }
0xa7: {  	v10 =	vld [tilespmem:$0x3A00]  }
0xa8: {  	v11 =	vld [tilespmem:$0x3A40]  }
0xa9: {  	v12 =	vld [tilespmem:$0x3A80]  }
0xaa: {  	v13 =	vld [tilespmem:$0x3AC0]  }
0xab: {  	v14 =	vld [tilespmem:$0x3B00]  }
0xac: {  	v15 =	vld [tilespmem:$0x3B40]  }
0xad: {  	v16 =	vld [tilespmem:$0x3B80]  }
0xae: {  	v17 =	vld [tilespmem:$0x3BC0]  }
0xaf: {  	v18 =	vld [tilespmem:$0x3810]  }
0xb0: {  	v19 =	vld [tilespmem:$0x3850]  }
0xb1: {  	v20 =	vld [tilespmem:$0x3890]  }
0xb2: {  	v21 =	vld [tilespmem:$0x38D0]  }
0xb3: {  	v22 =	vld [tilespmem:$0x3910]  }
0xb4: {  	v23 =	vld [tilespmem:$0x3950]  }
0xb5: {  	v24 =	vld [tilespmem:$0x3990]  }
0xb6: {  	v25 =	vld [tilespmem:$0x39D0]  }
0xb7: {  	v26 =	vld [tilespmem:$0x3A10]  }
0xb8: {  	v27 =	vld [tilespmem:$0x3A50]  }
0xb9: {  	v28 =	vld [tilespmem:$0x3A90]  }
0xba: {  	v29 =	vld [tilespmem:$0x3AD0]  }
0xbb: {  	v30 =	vld [tilespmem:$0x3B10]  }
0xbc: {  	v31 =	vld [tilespmem:$0x3B50]  }
0xbd: {  	v32 =	vld [tilespmem:$0x3B90]  }
0xbe: {  	v33 =	vld [tilespmem:$0x3BD0]  }
0xbf: {  	v34 =	vld [tilespmem:$0x3820]  }
0xc0: {  	v35 =	vld [tilespmem:$0x3860]  }
0xc1: {  	v36 =	vld [tilespmem:$0x3830]  }
0xc2: {  	v37 =	vld [tilespmem:$0x3870]  }
0xc3: {  	v38 =	vld [tilespmem:$0x38A0]  }
0xc4: {  	v2 =	vadd.f32 v3, v2;
	v3 =	vld [tilespmem:$0x38B0]  }
0xc5: {  	v61 =	vld [tilespmem:$0x38E0];
	v18 =	vadd.f32 v19, v18  }
0xc6: {  	v63 =	vld [tilespmem:$0x38F0];
	v62 =	vadd.f32 v35, v34;
	v2 =	vadd.f32 v4, v2  }
0xc7: {  	v36 =	vadd.f32 v37, v36;
	v37 =	vld [tilespmem:$0x3920];
	v18 =	vadd.f32 v20, v18  }
0xc8: {  	v4 =	vadd.f32 v38, v62;
	v38 =	vld [tilespmem:$0x3930];
	v2 =	vadd.f32 v5, v2  }
0xc9: {  	v39 =	vld [tilespmem:$0x3960];
	v18 =	vadd.f32 v21, v18;
	v3 =	vadd.f32 v3, v36  }
0xca: {  	v40 =	vld [tilespmem:$0x3970];
	v4 =	vadd.f32 v61, v4;
	v2 =	vadd.f32 v6, v2  }
0xcb: {  	v41 =	vld [tilespmem:$0x39A0];
	v18 =	vadd.f32 v22, v18;
	v3 =	vadd.f32 v63, v3  }
0xcc: {  	v42 =	vld [tilespmem:$0x39B0];
	v4 =	vadd.f32 v37, v4;
	v2 =	vadd.f32 v7, v2  }
0xcd: {  	v43 =	vld [tilespmem:$0x39E0];
	v18 =	vadd.f32 v23, v18;
	v3 =	vadd.f32 v38, v3  }
0xce: {  	v44 =	vld [tilespmem:$0x39F0];
	v4 =	vadd.f32 v39, v4;
	v2 =	vadd.f32 v8, v2  }
0xcf: {  	v45 =	vld [tilespmem:$0x3A20];
	v18 =	vadd.f32 v24, v18;
	v3 =	vadd.f32 v40, v3  }
0xd0: {  	v46 =	vld [tilespmem:$0x3A30];
	v4 =	vadd.f32 v41, v4;
	v2 =	vadd.f32 v9, v2  }
0xd1: {  	v47 =	vld [tilespmem:$0x3A60];
	v18 =	vadd.f32 v25, v18;
	v3 =	vadd.f32 v42, v3  }
0xd2: {  	v48 =	vld [tilespmem:$0x3A70];
	v4 =	vadd.f32 v43, v4;
	v2 =	vadd.f32 v10, v2  }
0xd3: {  	v50 =	vld [tilespmem:$0x3AA0];
	v49 =	vadd.f32 v26, v18;
	v3 =	vadd.f32 v44, v3  }
0xd4: {  	v51 =	vld [tilespmem:$0x3AB0];
	v4 =	vadd.f32 v45, v4;
	v2 =	vadd.f32 v11, v2  }
0xd5: {  	v52 =	vld [tilespmem:$0x3AE0];
	v10 =	vadd.f32 v27, v49;
	v3 =	vadd.f32 v46, v3  }
0xd6: {  	v53 =	vld [tilespmem:$0x3AF0];
	v4 =	vadd.f32 v47, v4;
	v2 =	vadd.f32 v12, v2  }
0xd7: {  	v54 =	vld [tilespmem:$0x3B20];
	v10 =	vadd.f32 v28, v10;
	v3 =	vadd.f32 v48, v3  }
0xd8: {  	v55 =	vld [tilespmem:$0x3B30];
	v4 =	vadd.f32 v50, v4;
	v2 =	vadd.f32 v13, v2  }
0xd9: {  	v56 =	vld [tilespmem:$0x3B60];
	v10 =	vadd.f32 v29, v10;
	v3 =	vadd.f32 v51, v3  }
0xda: {  	v57 =	vld [tilespmem:$0x3B70];
	v4 =	vadd.f32 v52, v4;
	v2 =	vadd.f32 v14, v2  }
0xdb: {  	v58 =	vld [tilespmem:$0x3BA0];
	v10 =	vadd.f32 v30, v10;
	v3 =	vadd.f32 v53, v3  }
0xdc: {  	v59 =	vld [tilespmem:$0x3BB0];
	v4 =	vadd.f32 v54, v4;
	v2 =	vadd.f32 v15, v2  }
0xdd: {  	v60 =	vld [tilespmem:$0x3BE0];
	v10 =	vadd.f32 v31, v10;
	v3 =	vadd.f32 v55, v3  }
0xde: {  	v61 =	vld [tilespmem:$0x3BF0];
	v4 =	vadd.f32 v56, v4;
	v2 =	vadd.f32 v16, v2  }
0xdf: {  	v62 =	vadd.f32 v32, v10;
	v3 =	vadd.f32 v57, v3  }
0xe0: {  	v4 =	vadd.f32 v58, v4;
	v2 =	vadd.f32 v17, v2  }
0xe1: {  	v63 =	vadd.f32 v33, v62;
	v3 =	vadd.f32 v59, v3  }
0xe2: {  	[tilespmem:$0x3C00] =	vst v2;
	v2 =	vadd.f32 v60, v4  }
0xe3: {  	[tilespmem:$0x3C10] =	vst v63;
	v3 =	vadd.f32 v61, v3  }
0xe4: {  	[tilespmem:$0x3C20] =	vst v2  }
0xe5: {  	[tilespmem:$0x3C30] =	vst v3  }
0xe6: {  	[spmem:s9] =	stream.linear.scatter [tilespmem:s20], [sflag:$0x1], $0x3F0, $0x38;
	[tilespmem:$0x51B0] =	vst v63  }
0xe7: {  	_ = 	snop  }
0xe8: {  	[spmem:s10] =	stream.linear.scatter [tilespmem:s21], [sflag:$0x2], $0x40, $0x38;
	[tilespmem:$0x51B0] =	vst v63  }
0xe9: {  	_ =	swait.ge [sflag:s22], $0x40  }
0xea: {  	[sflag:s22] =	ssyncset.done $0x0  }
0xeb: {  	[sflag:s22] =	ssyncadd.s32 $0xFFFFFFC0  }
0xec: {  	_ =	swait.ge [sflag:s18], $0x3F0  }
0xed: {  	[sflag:s18] =	ssyncset.done $0x0  }
0xee: {  	[sflag:s18] =	ssyncadd.s32 $0xFFFFFC10  }
0xef: {  	s24 =	simm.s32 @!p0 $0x3C80;
	[bflag:$0x0] =	sbarrier.arrive $0xFFFF  }
0xf0: {  	[tilespmem:s24], [sflag:$0x2] =	stream.linear.gather @!p0 [spmem:s10], $0x100, $0x38;
	[tilespmem:$0x51B0] =	vst v63  }
0xf1: {  	s24 =	simm.s32 @!p0 $0x2  }
0xf2: {  	_ =	swait.ge @!p0 [sflag:s24], $0x100  }
0xf3: {  	[sflag:s24] =	ssyncset.done @!p0 $0x0  }
0xf4: {  	[sflag:s24] =	ssyncadd.s32 @!p0 $0xFFFFFF00  }
0xf5: {  	v2 =	vld @!p0 [tilespmem:$0x2000]  }
0xf6: {  	v3 =	vld @!p0 [tilespmem:$0x3C80]  }
0xf7: {  	v4 =	vld @!p0 [tilespmem:$0x3CC0]  }
0xf8: {  	v5 =	vld @!p0 [tilespmem:$0x3D00]  }
0xf9: {  	v6 =	vld @!p0 [tilespmem:$0x3D40]  }
0xfa: {  	v7 =	vld @!p0 [tilespmem:$0x3C90]  }
0xfb: {  	v8 =	vld @!p0 [tilespmem:$0x3CD0]  }
0xfc: {  	v9 =	vld @!p0 [tilespmem:$0x3D10]  }
0xfd: {  	v10 =	vld @!p0 [tilespmem:$0x3D50]  }
0xfe: {  	v11 =	vld @!p0 [tilespmem:$0x3CA0]  }
0xff: {  	v12 =	vld @!p0 [tilespmem:$0x3CB0]  }
0x100: {  	v13 =	vld @!p0 [tilespmem:$0x3CE0]  }
0x101: {  	v14 =	vld @!p0 [tilespmem:$0x3CF0];
	v3 =	vadd.f32 @!p0 v3, v2  }
0x102: {  	v15 =	vld @!p0 [tilespmem:$0x3D20];
	v7 =	vadd.f32 @!p0 v7, v2  }
0x103: {  	v3 =	vadd.f32 @!p0 v4, v3;
	v4 =	vadd.f32 @!p0 v11, v2;
	v11 =	vld @!p0 [tilespmem:$0x3D30]  }
0x104: {  	v7 =	vadd.f32 @!p0 v8, v7;
	v2 =	vadd.f32 @!p0 v12, v2;
	v8 =	vld @!p0 [tilespmem:$0x3D60]  }
0x105: {  	v3 =	vadd.f32 @!p0 v5, v3;
	v4 =	vadd.f32 @!p0 v13, v4;
	v5 =	vld @!p0 [tilespmem:$0x3D70]  }
0x106: {  	v7 =	vadd.f32 @!p0 v9, v7;
	v2 =	vadd.f32 @!p0 v14, v2  }
0x107: {  	v3 =	vadd.f32 @!p0 v6, v3;
	v4 =	vadd.f32 @!p0 v15, v4  }
0x108: {  	v6 =	vadd.f32 @!p0 v10, v7;
	v2 =	vadd.f32 @!p0 v11, v2  }
0x109: {  	[tilespmem:$0x3C00] =	vst @!p0 v3;
	v3 =	vadd.f32 @!p0 v8, v4  }
0x10a: {  	[tilespmem:$0x3C10] =	vst @!p0 v6;
	v2 =	vadd.f32 @!p0 v5, v2  }
0x10b: {  	[tilespmem:$0x3C20] =	vst @!p0 v3  }
0x10c: {  	s25 =	simm.s32 @!p0 $0x0;
	s26 =	simm.s32 @!p0 $0x3C00;
	[tilespmem:$0x3C30] =	vst @!p0 v2  }
0x10d: {  	[hbm4b:s11+s25] =	stream.linear.scatter @!p0 [tilespmem:s26], [sflag:$0x2], $0x80, $0x38;
	[tilespmem:$0x51B0] =	vst v63  }
0x10e: {  	_ =	swait.ge @!p0 [sflag:s24], $0x80  }
0x10f: {  	[sflag:s24] =	ssyncset.done @!p0 $0x0  }
0x110: {  	s25 =	simm.s32 @!p0 $0x3D80;
	[sflag:s24] =	ssyncadd.s32 @!p0 $0xFFFFFF80  }
0x111: {  	[tilespmem:s25], [sflag:$0x2] =	stream.linear.gather @!p0 [spmem:s8], $0xFC0, $0x38;
	[tilespmem:$0x51B0] =	vst v63  }
0x112: {  	s23 =	sadd.s32 $0x1, s23;
	_ =	swait.ge @!p0 [sflag:s24], $0xFC0  }
0x113: {  	s28 =	simm.s32 @!p0 $0x400;
	p1 =	sne.s32 s23, s13;
	[sflag:s24] =	ssyncset.done @!p0 $0x0  }
.Ltmp1:
0x114: {  	s26 =	simm.s32 @!p0 $0x80;
	[sflag:s24] =	ssyncadd.s32 @!p0 $0xFFFFF040;
	(pc) =	sbr.rel @p1 .LBB2_1-.Ltmp1, $4  }
0x115: {  	[hbm4b:s12+s26] =	stream.strided.scatter @!p0 [tilespmem:s25], [sflag:$0x2], $0x1000, s28, s26, $0x38;
	[tilespmem:$0x51B0] =	vst v63  }
0x116: {  	_ =	swait.ge @!p0 [sflag:s24], $0x1000  }
0x117: {  	[sflag:s24] =	ssyncset.done @!p0 $0x0  }
0x118: {  	[sflag:s24] =	ssyncadd.s32 @!p0 $0xFFFFF000  }
0x119: {  	_ =	sfence.sel $0x180000  }
0x11a: {  	[bflag:$0x0] =	sbarrier.arrive $0xFFFF  }
0x11b: {  	p0 =	sne.s32 s0, $0x0;
	_ =	strace $0x90000047  }
0x11c: {  	s0 =	sadd.s32 @!p0 $0x100000, s1;
	[bflag:$0x2] =	sbarrier.arrive $0xFFFF  }
0x11d: {  	[sflag:s0] =	ssyncadd.tile.s32 @!p0 $0x1;
	_ =	shalt  }
.Lfunc_end2:
_tile_overlayer_lowered:
.L_overlay_start_2:
0x11e: {  	(tag) =	ssettag $0x2  }
0x11f: {  	s0 =	rddreg [dreg:$0x0];
	s2 =	stileid.u32  }
0x120: {  	s1 =	rddreg [dreg:$0x1];
	p0 =	sne.s32 s2, $0x0  }
0x121: {  	s3 =	rddreg [dreg:$0x2];
	[bflag:$0x3] =	sbarrier.arrive $0xFFFF;
	s2 =	simm.s32 @!p0 $0x1C02  }
0x122: {  	[timem:s3], [sflag:s2] =	dma.local @!p0 [hbm:s0], s1  }
0x123: {  	s0 =	simm.s32 @!p0 $0x2  }
0x124: {  	_ =	swait.ge @!p0 [sflag:s0], s1  }
0x125: {  	s1 =	ssub.s32 @!p0 $0x0, s1;
	[sflag:s0] =	ssyncset.done @!p0 $0x0  }
0x126: {  	[sflag:s0] =	ssyncadd.s32 @!p0 s1  }
0x127: {  	[bflag:$0x3] =	sbarrier.arrive $0xFFFF  }
0x128: {  	_ =	shalt  }

</sc_bundles>
